<compile_context>
chip_gen: v7x
topology: tpu7x:2x2x1
jax: 0.10.2.dev20260603
libtpu: 0.0.44.dev20260713+nightly
codegen_flags: <defaults>
</compile_context>

<pallas_src>
import functools

import jax
import jax.numpy as jnp
from jax import lax
from jax.experimental import pallas as pl
from jax.experimental.pallas import tpu as pltpu
from jax.experimental.pallas import tpu_sc as plsc

DIM = 32
NC, NS = 2, 16
NW = NC * NS

BB = 8


@functools.lru_cache(maxsize=None)
def _make_gather(batch, hist):
    rows_per_chunk = BB * hist
    n_chunks = batch // (BB * NW)
    assert batch % (BB * NW) == 0 and n_chunks % 2 == 0
    mesh = plsc.VectorSubcoreMesh(core_axis_name="c", subcore_axis_name="s")

    @functools.partial(
        pl.kernel,
        mesh=mesh,
        out_type=jax.ShapeDtypeStruct((batch, hist, DIM), jnp.float32),
        scratch_types=[
            pltpu.VMEM((rows_per_chunk,), jnp.int32),
            pltpu.VMEM((rows_per_chunk,), jnp.int32),
            pltpu.VMEM((BB, hist, DIM), jnp.float32),
            pltpu.VMEM((BB, hist, DIM), jnp.float32),
            pltpu.SemaphoreType.DMA,
            pltpu.SemaphoreType.DMA,
            pltpu.SemaphoreType.DMA,
            pltpu.SemaphoreType.DMA,
            pltpu.SemaphoreType.DMA,
            pltpu.SemaphoreType.DMA,
        ],
        compiler_params=pltpu.CompilerParams(use_tc_tiling_on_sc=False),
    )
    def gather_kernel(table_hbm, idx_hbm, out_hbm,
                      idx0, idx1, rows0, rows1,
                      si0, si1, sg0, sg1, so0, so1):
        wid = lax.axis_index("s") * NC + lax.axis_index("c")
        base = wid * n_chunks
        idx_v = (idx0, idx1)
        rows_v = (rows0, rows1)
        si = (si0, si1)
        sg = (sg0, sg1)
        so = (so0, so1)

        pltpu.async_copy(idx_hbm.at[base], idx0, si0)
        pltpu.async_copy(idx_hbm.at[base + 1], idx1, si1)

        def step(par, g):
            c = base + g
            b0 = c * BB
            @pl.when(g >= 2)
            def _():
                pltpu.make_async_copy(
                    rows_v[par], out_hbm.at[pl.ds(b0, BB)], so[par]).wait()
            pltpu.make_async_copy(idx_hbm.at[c], idx_v[par], si[par]).wait()
            copies = [
                pltpu.async_copy(
                    table_hbm.at[idx_v[par].at[pl.ds(j * hist, hist)]],
                    rows_v[par].at[j], sg[par])
                for j in range(BB)
            ]
            for cp in copies:
                cp.wait()
            pltpu.async_copy(rows_v[par], out_hbm.at[pl.ds(b0, BB)], so[par])
            @pl.when(g + 2 < n_chunks)
            def _():
                pltpu.async_copy(idx_hbm.at[c + 2], idx_v[par], si[par])

        def body(i, carry):
            step(0, 2 * i)
            step(1, 2 * i + 1)
            return carry

        lax.fori_loop(0, n_chunks // 2, body, 0)

        pltpu.make_async_copy(rows0, out_hbm.at[pl.ds(0, BB)], so0).wait()
        pltpu.make_async_copy(rows1, out_hbm.at[pl.ds(0, BB)], so1).wait()

    return gather_kernel


def kernel(residue_type, weight):
    b, h = residue_type.shape
    idx = residue_type.astype(jnp.int32).reshape(-1, BB * h)
    return _make_gather(b, h)(weight, idx)

# --- scband reference (transcript-rebuilt; emitter-appended) ---
"""Pipeline reference for scband-embedding-module-5317169512889 (READ-ONLY COPY).

The authoritative reference and input builder live on the scoring server;
editing this copy changes nothing except your own understanding.
"""

import jax, jax.numpy as jnp
import numpy as np

NUM_EMBEDDINGS = 1000000
EMBEDDING_DIM = 32
BATCH = 16384
HIST = 200

def setup_inputs(seed: int = 0) -> dict:
    key = jax.random.key(seed)
    k_idx, k_w = jax.random.split(key)
    residue_type = jax.random.randint(k_idx, (BATCH, HIST), 0, NUM_EMBEDDINGS, dtype=jnp.int64 if jax.config.jax_enable_x64 else jnp.int32)
    weight = jax.random.normal(k_w, (NUM_EMBEDDINGS, EMBEDDING_DIM), dtype=jnp.float32)
    return {"residue_type": residue_type, "weight": weight}

def reference(residue_type, weight):
    # nn.Embedding forward: gather rows of the table
    return jnp.take(weight, residue_type, axis=0)

if __name__ == "__main__":
    import jax
    _d = setup_inputs()
    print(jax.jit(kernel)(*tuple(_d.values())))

</pallas_src>

<mosaic_0001>
#map = affine_map<(d0, d1) -> (0, 0)>
#map1 = affine_map<(d0, d1) -> (0, 0, 0)>
module attributes {stable_mosaic.version = 14 : i64} {
  func.func @gather_kernel(%arg0: i32, %arg1: i32, %arg2: memref<1000000x32xf32, #tpu.memory_space<hbm>>, %arg3: memref<2048x1600xi32, #tpu.memory_space<hbm>>, %arg4: memref<16384x200x32xf32, #tpu.memory_space<hbm>>, %arg5: memref<1600xi32, #tpu.memory_space<vmem>>, %arg6: memref<1600xi32, #tpu.memory_space<vmem>>, %arg7: memref<8x200x32xf32, #tpu.memory_space<vmem>>, %arg8: memref<8x200x32xf32, #tpu.memory_space<vmem>>, %arg9: memref<!tpu.dma_semaphore, #tpu.memory_space<semaphore_mem>>, %arg10: memref<!tpu.dma_semaphore, #tpu.memory_space<semaphore_mem>>, %arg11: memref<!tpu.dma_semaphore, #tpu.memory_space<semaphore_mem>>, %arg12: memref<!tpu.dma_semaphore, #tpu.memory_space<semaphore_mem>>, %arg13: memref<!tpu.dma_semaphore, #tpu.memory_space<semaphore_mem>>, %arg14: memref<!tpu.dma_semaphore, #tpu.memory_space<semaphore_mem>>) attributes {dimension_semantics = [#tpu.dimension_semantics<core_parallel>, #tpu.dimension_semantics<subcore_parallel>], iteration_bounds = array<i64: 2, 16>, scalar_prefetch = 0 : i64, scratch_operands = 10 : i64, tpu.core_type = #tpu.core_type<sc_vector_subcore>, window_params = [{transform_indices = #map}, {transform_indices = #map}, {transform_indices = #map1}]} {
    %mul3A = arith.constant 2 : i32
    %mul3A_0 = arith.muli %arg1, %mul3A : i32
    %add3A = arith.addi %mul3A_0, %arg0 : i32
    %mul3A_1 = arith.constant 64 : i32
    %mul3A_2 = arith.muli %add3A, %mul3A_1 : i32
    %dma_start3A = arith.constant 0 : i32
    %dma_start3A_3 = tpu.memref_slice %arg3[%mul3A_2, %dma_start3A] : memref<2048x1600xi32, #tpu.memory_space<hbm>> -> memref<1x1600xi32, #tpu.memory_space<hbm>>
    %dma_start3A_4 = tpu.memref_squeeze %dma_start3A_3 : memref<1x1600xi32, #tpu.memory_space<hbm>> -> memref<1600xi32, #tpu.memory_space<hbm>>
    %dma_start3A_5 = arith.constant 0 : i32
    %dma_start3A_6 = tpu.memref_slice %arg3[%mul3A_2, %dma_start3A_5] : memref<2048x1600xi32, #tpu.memory_space<hbm>> -> memref<1x1600xi32, #tpu.memory_space<hbm>>
    %dma_start3A_7 = tpu.memref_squeeze %dma_start3A_6 : memref<1x1600xi32, #tpu.memory_space<hbm>> -> memref<1600xi32, #tpu.memory_space<hbm>>
    tpu.enqueue_dma source(%dma_start3A_7 : memref<1600xi32, #tpu.memory_space<hbm>>) target(%arg5 : memref<1600xi32, #tpu.memory_space<vmem>>) target_semaphore(%arg9 : memref<!tpu.dma_semaphore, #tpu.memory_space<semaphore_mem>>)
    %add3A_8 = arith.constant 1 : i32
    %add3A_9 = arith.addi %mul3A_2, %add3A_8 : i32
    %dma_start3A_10 = arith.constant 0 : i32
    %dma_start3A_11 = tpu.memref_slice %arg3[%add3A_9, %dma_start3A_10] : memref<2048x1600xi32, #tpu.memory_space<hbm>> -> memref<1x1600xi32, #tpu.memory_space<hbm>>
    %dma_start3A_12 = tpu.memref_squeeze %dma_start3A_11 : memref<1x1600xi32, #tpu.memory_space<hbm>> -> memref<1600xi32, #tpu.memory_space<hbm>>
    %dma_start3A_13 = arith.constant 0 : i32
    %dma_start3A_14 = tpu.memref_slice %arg3[%add3A_9, %dma_start3A_13] : memref<2048x1600xi32, #tpu.memory_space<hbm>> -> memref<1x1600xi32, #tpu.memory_space<hbm>>
    %dma_start3A_15 = tpu.memref_squeeze %dma_start3A_14 : memref<1x1600xi32, #tpu.memory_space<hbm>> -> memref<1600xi32, #tpu.memory_space<hbm>>
    tpu.enqueue_dma source(%dma_start3A_15 : memref<1600xi32, #tpu.memory_space<hbm>>) target(%arg6 : memref<1600xi32, #tpu.memory_space<vmem>>) target_semaphore(%arg10 : memref<!tpu.dma_semaphore, #tpu.memory_space<semaphore_mem>>)
    %scan3A = arith.constant 0 : i32
    %scan3A_16 = arith.constant 0 : i32
    %scan3A_17 = arith.constant 32 : i32
    %scan3A_18 = arith.addi %scan3A_16, %scan3A_17 : i32
    %scan3A_19 = arith.constant 1 : i32
    scf.for %scan3A_36 = %scan3A_16 to %scan3A_18 step %scan3A_19  : i32 {
      %mul3A_37 = arith.constant 2 : i32
      %mul3A_38 = arith.muli %mul3A_37, %scan3A_36 : i32
      %add3A_39 = arith.addi %mul3A_2, %mul3A_38 : i32
      %mul3A_40 = arith.constant 8 : i32
      %mul3A_41 = arith.muli %add3A_39, %mul3A_40 : i32
      %ge3A = arith.constant 2 : i32
      %ge3A_42 = arith.cmpi sge, %mul3A_38, %ge3A : i32
      %convert_element_type3A = arith.extui %ge3A_42 : i1 to i32
      %cond3A = arith.constant 0 : i32
      %cond3A_43 = arith.cmpi ne, %convert_element_type3A, %cond3A : i32
      scf.if %cond3A_43 {
        %dma_wait3A_413 = arith.constant 0 : i32
        %dma_wait3A_414 = arith.constant 0 : i32
        %dma_wait3A_415 = tpu.memref_slice %arg4[%mul3A_41, %dma_wait3A_413, %dma_wait3A_414] : memref<16384x200x32xf32, #tpu.memory_space<hbm>> -> memref<8x200x32xf32, #tpu.memory_space<hbm>>
        %dma_wait3A_416 = arith.constant 0 : i32
        %dma_wait3A_417 = arith.constant 0 : i32
        %dma_wait3A_418 = tpu.memref_slice %arg4[%mul3A_41, %dma_wait3A_416, %dma_wait3A_417] : memref<16384x200x32xf32, #tpu.memory_space<hbm>> -> memref<8x200x32xf32, #tpu.memory_space<hbm>>
        tpu.wait_dma2 semaphore(%arg13 : memref<!tpu.dma_semaphore, #tpu.memory_space<semaphore_mem>>) src(%arg7 : memref<8x200x32xf32, #tpu.memory_space<vmem>>) dst(%dma_wait3A_418 : memref<8x200x32xf32, #tpu.memory_space<hbm>>)
      } else {
      }
      %dma_wait3A_44 = arith.constant 0 : i32
      %dma_wait3A_45 = tpu.memref_slice %arg3[%add3A_39, %dma_wait3A_44] : memref<2048x1600xi32, #tpu.memory_space<hbm>> -> memref<1x1600xi32, #tpu.memory_space<hbm>>
      %dma_wait3A_46 = tpu.memref_squeeze %dma_wait3A_45 : memref<1x1600xi32, #tpu.memory_space<hbm>> -> memref<1600xi32, #tpu.memory_space<hbm>>
      %dma_wait3A_47 = arith.constant 0 : i32
      %dma_wait3A_48 = tpu.memref_slice %arg3[%add3A_39, %dma_wait3A_47] : memref<2048x1600xi32, #tpu.memory_space<hbm>> -> memref<1x1600xi32, #tpu.memory_space<hbm>>
      %dma_wait3A_49 = tpu.memref_squeeze %dma_wait3A_48 : memref<1x1600xi32, #tpu.memory_space<hbm>> -> memref<1600xi32, #tpu.memory_space<hbm>>
      tpu.wait_dma2 semaphore(%arg9 : memref<!tpu.dma_semaphore, #tpu.memory_space<semaphore_mem>>) src(%dma_wait3A_49 : memref<1600xi32, #tpu.memory_space<hbm>>) dst(%arg5 : memref<1600xi32, #tpu.memory_space<vmem>>)
      %dma_start3A_50 = arith.constant 0 : i32
      %dma_start3A_51 = arith.constant 0 : i32
      %dma_start3A_52 = arith.constant 0 : i32
      %dma_start3A_53 = tpu.memref_slice %arg7[%dma_start3A_50, %dma_start3A_51, %dma_start3A_52] : memref<8x200x32xf32, #tpu.memory_space<vmem>> -> memref<1x200x32xf32, #tpu.memory_space<vmem>>
      %dma_start3A_54 = tpu.memref_squeeze %dma_start3A_53 : memref<1x200x32xf32, #tpu.memory_space<vmem>> -> memref<200x32xf32, #tpu.memory_space<vmem>>
      %dma_start3A_55 = arith.constant 0 : i32
      %dma_start3A_56 = tpu.memref_slice %arg5[%dma_start3A_55] : memref<1600xi32, #tpu.memory_space<vmem>> -> memref<200xi32, #tpu.memory_space<vmem>>
      %dma_start3A_57 = arith.constant 0 : i32
      %dma_start3A_58 = arith.constant 0 : i32
      %dma_start3A_59 = tpu.memref_slice %arg2[%dma_start3A_57, %dma_start3A_58] : memref<1000000x32xf32, #tpu.memory_space<hbm>> -> memref<1000000x32xf32, #tpu.memory_space<hbm>>
      tpu.enqueue_indirect_dma source(%dma_start3A_59 : memref<1000000x32xf32, #tpu.memory_space<hbm>>) target(%dma_start3A_54 : memref<200x32xf32, #tpu.memory_space<vmem>>) offsets(%dma_start3A_56 : memref<200xi32, #tpu.memory_space<vmem>>) semaphore(%arg11 : memref<!tpu.dma_semaphore, #tpu.memory_space<semaphore_mem>>)
      %dma_start3A_60 = arith.constant 1 : i32
      %dma_start3A_61 = arith.constant 0 : i32
      %dma_start3A_62 = arith.constant 0 : i32
      %dma_start3A_63 = tpu.memref_slice %arg7[%dma_start3A_60, %dma_start3A_61, %dma_start3A_62] : memref<8x200x32xf32, #tpu.memory_space<vmem>> -> memref<1x200x32xf32, #tpu.memory_space<vmem>>
      %dma_start3A_64 = tpu.memref_squeeze %dma_start3A_63 : memref<1x200x32xf32, #tpu.memory_space<vmem>> -> memref<200x32xf32, #tpu.memory_space<vmem>>
      %dma_start3A_65 = arith.constant 200 : i32
      %dma_start3A_66 = tpu.memref_slice %arg5[%dma_start3A_65] : memref<1600xi32, #tpu.memory_space<vmem>> -> memref<200xi32, #tpu.memory_space<vmem>>
      %dma_start3A_67 = arith.constant 0 : i32
      %dma_start3A_68 = arith.constant 0 : i32
      %dma_start3A_69 = tpu.memref_slice %arg2[%dma_start3A_67, %dma_start3A_68] : memref<1000000x32xf32, #tpu.memory_space<hbm>> -> memref<1000000x32xf32, #tpu.memory_space<hbm>>
      tpu.enqueue_indirect_dma source(%dma_start3A_69 : memref<1000000x32xf32, #tpu.memory_space<hbm>>) target(%dma_start3A_64 : memref<200x32xf32, #tpu.memory_space<vmem>>) offsets(%dma_start3A_66 : memref<200xi32, #tpu.memory_space<vmem>>) semaphore(%arg11 : memref<!tpu.dma_semaphore, #tpu.memory_space<semaphore_mem>>)
      %dma_start3A_70 = arith.constant 2 : i32
      %dma_start3A_71 = arith.constant 0 : i32
      %dma_start3A_72 = arith.constant 0 : i32
      %dma_start3A_73 = tpu.memref_slice %arg7[%dma_start3A_70, %dma_start3A_71, %dma_start3A_72] : memref<8x200x32xf32, #tpu.memory_space<vmem>> -> memref<1x200x32xf32, #tpu.memory_space<vmem>>
      %dma_start3A_74 = tpu.memref_squeeze %dma_start3A_73 : memref<1x200x32xf32, #tpu.memory_space<vmem>> -> memref<200x32xf32, #tpu.memory_space<vmem>>
      %dma_start3A_75 = arith.constant 400 : i32
      %dma_start3A_76 = tpu.memref_slice %arg5[%dma_start3A_75] : memref<1600xi32, #tpu.memory_space<vmem>> -> memref<200xi32, #tpu.memory_space<vmem>>
      %dma_start3A_77 = arith.constant 0 : i32
      %dma_start3A_78 = arith.constant 0 : i32
      %dma_start3A_79 = tpu.memref_slice %arg2[%dma_start3A_77, %dma_start3A_78] : memref<1000000x32xf32, #tpu.memory_space<hbm>> -> memref<1000000x32xf32, #tpu.memory_space<hbm>>
      tpu.enqueue_indirect_dma source(%dma_start3A_79 : memref<1000000x32xf32, #tpu.memory_space<hbm>>) target(%dma_start3A_74 : memref<200x32xf32, #tpu.memory_space<vmem>>) offsets(%dma_start3A_76 : memref<200xi32, #tpu.memory_space<vmem>>) semaphore(%arg11 : memref<!tpu.dma_semaphore, #tpu.memory_space<semaphore_mem>>)
      %dma_start3A_80 = arith.constant 3 : i32
      %dma_start3A_81 = arith.constant 0 : i32
      %dma_start3A_82 = arith.constant 0 : i32
      %dma_start3A_83 = tpu.memref_slice %arg7[%dma_start3A_80, %dma_start3A_81, %dma_start3A_82] : memref<8x200x32xf32, #tpu.memory_space<vmem>> -> memref<1x200x32xf32, #tpu.memory_space<vmem>>
      %dma_start3A_84 = tpu.memref_squeeze %dma_start3A_83 : memref<1x200x32xf32, #tpu.memory_space<vmem>> -> memref<200x32xf32, #tpu.memory_space<vmem>>
      %dma_start3A_85 = arith.constant 600 : i32
      %dma_start3A_86 = tpu.memref_slice %arg5[%dma_start3A_85] : memref<1600xi32, #tpu.memory_space<vmem>> -> memref<200xi32, #tpu.memory_space<vmem>>
      %dma_start3A_87 = arith.constant 0 : i32
      %dma_start3A_88 = arith.constant 0 : i32
      %dma_start3A_89 = tpu.memref_slice %arg2[%dma_start3A_87, %dma_start3A_88] : memref<1000000x32xf32, #tpu.memory_space<hbm>> -> memref<1000000x32xf32, #tpu.memory_space<hbm>>
      tpu.enqueue_indirect_dma source(%dma_start3A_89 : memref<1000000x32xf32, #tpu.memory_space<hbm>>) target(%dma_start3A_84 : memref<200x32xf32, #tpu.memory_space<vmem>>) offsets(%dma_start3A_86 : memref<200xi32, #tpu.memory_space<vmem>>) semaphore(%arg11 : memref<!tpu.dma_semaphore, #tpu.memory_space<semaphore_mem>>)
      %dma_start3A_90 = arith.constant 4 : i32
      %dma_start3A_91 = arith.constant 0 : i32
      %dma_start3A_92 = arith.constant 0 : i32
      %dma_start3A_93 = tpu.memref_slice %arg7[%dma_start3A_90, %dma_start3A_91, %dma_start3A_92] : memref<8x200x32xf32, #tpu.memory_space<vmem>> -> memref<1x200x32xf32, #tpu.memory_space<vmem>>
      %dma_start3A_94 = tpu.memref_squeeze %dma_start3A_93 : memref<1x200x32xf32, #tpu.memory_space<vmem>> -> memref<200x32xf32, #tpu.memory_space<vmem>>
      %dma_start3A_95 = arith.constant 800 : i32
      %dma_start3A_96 = tpu.memref_slice %arg5[%dma_start3A_95] : memref<1600xi32, #tpu.memory_space<vmem>> -> memref<200xi32, #tpu.memory_space<vmem>>
      %dma_start3A_97 = arith.constant 0 : i32
      %dma_start3A_98 = arith.constant 0 : i32
      %dma_start3A_99 = tpu.memref_slice %arg2[%dma_start3A_97, %dma_start3A_98] : memref<1000000x32xf32, #tpu.memory_space<hbm>> -> memref<1000000x32xf32, #tpu.memory_space<hbm>>
      tpu.enqueue_indirect_dma source(%dma_start3A_99 : memref<1000000x32xf32, #tpu.memory_space<hbm>>) target(%dma_start3A_94 : memref<200x32xf32, #tpu.memory_space<vmem>>) offsets(%dma_start3A_96 : memref<200xi32, #tpu.memory_space<vmem>>) semaphore(%arg11 : memref<!tpu.dma_semaphore, #tpu.memory_space<semaphore_mem>>)
      %dma_start3A_100 = arith.constant 5 : i32
      %dma_start3A_101 = arith.constant 0 : i32
      %dma_start3A_102 = arith.constant 0 : i32
      %dma_start3A_103 = tpu.memref_slice %arg7[%dma_start3A_100, %dma_start3A_101, %dma_start3A_102] : memref<8x200x32xf32, #tpu.memory_space<vmem>> -> memref<1x200x32xf32, #tpu.memory_space<vmem>>
      %dma_start3A_104 = tpu.memref_squeeze %dma_start3A_103 : memref<1x200x32xf32, #tpu.memory_space<vmem>> -> memref<200x32xf32, #tpu.memory_space<vmem>>
      %dma_start3A_105 = arith.constant 1000 : i32
      %dma_start3A_106 = tpu.memref_slice %arg5[%dma_start3A_105] : memref<1600xi32, #tpu.memory_space<vmem>> -> memref<200xi32, #tpu.memory_space<vmem>>
      %dma_start3A_107 = arith.constant 0 : i32
      %dma_start3A_108 = arith.constant 0 : i32
      %dma_start3A_109 = tpu.memref_slice %arg2[%dma_start3A_107, %dma_start3A_108] : memref<1000000x32xf32, #tpu.memory_space<hbm>> -> memref<1000000x32xf32, #tpu.memory_space<hbm>>
      tpu.enqueue_indirect_dma source(%dma_start3A_109 : memref<1000000x32xf32, #tpu.memory_space<hbm>>) target(%dma_start3A_104 : memref<200x32xf32, #tpu.memory_space<vmem>>) offsets(%dma_start3A_106 : memref<200xi32, #tpu.memory_space<vmem>>) semaphore(%arg11 : memref<!tpu.dma_semaphore, #tpu.memory_space<semaphore_mem>>)
      %dma_start3A_110 = arith.constant 6 : i32
      %dma_start3A_111 = arith.constant 0 : i32
      %dma_start3A_112 = arith.constant 0 : i32
      %dma_start3A_113 = tpu.memref_slice %arg7[%dma_start3A_110, %dma_start3A_111, %dma_start3A_112] : memref<8x200x32xf32, #tpu.memory_space<vmem>> -> memref<1x200x32xf32, #tpu.memory_space<vmem>>
      %dma_start3A_114 = tpu.memref_squeeze %dma_start3A_113 : memref<1x200x32xf32, #tpu.memory_space<vmem>> -> memref<200x32xf32, #tpu.memory_space<vmem>>
      %dma_start3A_115 = arith.constant 1200 : i32
      %dma_start3A_116 = tpu.memref_slice %arg5[%dma_start3A_115] : memref<1600xi32, #tpu.memory_space<vmem>> -> memref<200xi32, #tpu.memory_space<vmem>>
      %dma_start3A_117 = arith.constant 0 : i32
      %dma_start3A_118 = arith.constant 0 : i32
      %dma_start3A_119 = tpu.memref_slice %arg2[%dma_start3A_117, %dma_start3A_118] : memref<1000000x32xf32, #tpu.memory_space<hbm>> -> memref<1000000x32xf32, #tpu.memory_space<hbm>>
      tpu.enqueue_indirect_dma source(%dma_start3A_119 : memref<1000000x32xf32, #tpu.memory_space<hbm>>) target(%dma_start3A_114 : memref<200x32xf32, #tpu.memory_space<vmem>>) offsets(%dma_start3A_116 : memref<200xi32, #tpu.memory_space<vmem>>) semaphore(%arg11 : memref<!tpu.dma_semaphore, #tpu.memory_space<semaphore_mem>>)
      %dma_start3A_120 = arith.constant 7 : i32
      %dma_start3A_121 = arith.constant 0 : i32
      %dma_start3A_122 = arith.constant 0 : i32
      %dma_start3A_123 = tpu.memref_slice %arg7[%dma_start3A_120, %dma_start3A_121, %dma_start3A_122] : memref<8x200x32xf32, #tpu.memory_space<vmem>> -> memref<1x200x32xf32, #tpu.memory_space<vmem>>
      %dma_start3A_124 = tpu.memref_squeeze %dma_start3A_123 : memref<1x200x32xf32, #tpu.memory_space<vmem>> -> memref<200x32xf32, #tpu.memory_space<vmem>>
      %dma_start3A_125 = arith.constant 1400 : i32
      %dma_start3A_126 = tpu.memref_slice %arg5[%dma_start3A_125] : memref<1600xi32, #tpu.memory_space<vmem>> -> memref<200xi32, #tpu.memory_space<vmem>>
      %dma_start3A_127 = arith.constant 0 : i32
      %dma_start3A_128 = arith.constant 0 : i32
      %dma_start3A_129 = tpu.memref_slice %arg2[%dma_start3A_127, %dma_start3A_128] : memref<1000000x32xf32, #tpu.memory_space<hbm>> -> memref<1000000x32xf32, #tpu.memory_space<hbm>>
      tpu.enqueue_indirect_dma source(%dma_start3A_129 : memref<1000000x32xf32, #tpu.memory_space<hbm>>) target(%dma_start3A_124 : memref<200x32xf32, #tpu.memory_space<vmem>>) offsets(%dma_start3A_126 : memref<200xi32, #tpu.memory_space<vmem>>) semaphore(%arg11 : memref<!tpu.dma_semaphore, #tpu.memory_space<semaphore_mem>>)
      %dma_wait3A_130 = arith.constant 0 : i32
      %dma_wait3A_131 = arith.constant 0 : i32
      %dma_wait3A_132 = arith.constant 0 : i32
      %dma_wait3A_133 = tpu.memref_slice %arg7[%dma_wait3A_130, %dma_wait3A_131, %dma_wait3A_132] : memref<8x200x32xf32, #tpu.memory_space<vmem>> -> memref<1x200x32xf32, #tpu.memory_space<vmem>>
      %dma_wait3A_134 = tpu.memref_squeeze %dma_wait3A_133 : memref<1x200x32xf32, #tpu.memory_space<vmem>> -> memref<200x32xf32, #tpu.memory_space<vmem>>
      %dma_wait3A_135 = arith.constant 0 : i32
      %dma_wait3A_136 = tpu.memref_slice %arg5[%dma_wait3A_135] : memref<1600xi32, #tpu.memory_space<vmem>> -> memref<200xi32, #tpu.memory_space<vmem>>
      %dma_wait3A_137 = arith.constant 0 : i32
      %dma_wait3A_138 = arith.constant 0 : i32
      %dma_wait3A_139 = tpu.memref_slice %arg2[%dma_wait3A_137, %dma_wait3A_138] : memref<1000000x32xf32, #tpu.memory_space<hbm>> -> memref<1000000x32xf32, #tpu.memory_space<hbm>>
      tpu.wait_indirect_dma semaphore(%arg11 : memref<!tpu.dma_semaphore, #tpu.memory_space<semaphore_mem>>) src(%dma_wait3A_139 : memref<1000000x32xf32, #tpu.memory_space<hbm>>) dst(%dma_wait3A_134 : memref<200x32xf32, #tpu.memory_space<vmem>>)
      %dma_wait3A_140 = arith.constant 1 : i32
      %dma_wait3A_141 = arith.constant 0 : i32
      %dma_wait3A_142 = arith.constant 0 : i32
      %dma_wait3A_143 = tpu.memref_slice %arg7[%dma_wait3A_140, %dma_wait3A_141, %dma_wait3A_142] : memref<8x200x32xf32, #tpu.memory_space<vmem>> -> memref<1x200x32xf32, #tpu.memory_space<vmem>>
      %dma_wait3A_144 = tpu.memref_squeeze %dma_wait3A_143 : memref<1x200x32xf32, #tpu.memory_space<vmem>> -> memref<200x32xf32, #tpu.memory_space<vmem>>
      %dma_wait3A_145 = arith.constant 200 : i32
      %dma_wait3A_146 = tpu.memref_slice %arg5[%dma_wait3A_145] : memref<1600xi32, #tpu.memory_space<vmem>> -> memref<200xi32, #tpu.memory_space<vmem>>
      %dma_wait3A_147 = arith.constant 0 : i32
      %dma_wait3A_148 = arith.constant 0 : i32
      %dma_wait3A_149 = tpu.memref_slice %arg2[%dma_wait3A_147, %dma_wait3A_148] : memref<1000000x32xf32, #tpu.memory_space<hbm>> -> memref<1000000x32xf32, #tpu.memory_space<hbm>>
      tpu.wait_indirect_dma semaphore(%arg11 : memref<!tpu.dma_semaphore, #tpu.memory_space<semaphore_mem>>) src(%dma_wait3A_149 : memref<1000000x32xf32, #tpu.memory_space<hbm>>) dst(%dma_wait3A_144 : memref<200x32xf32, #tpu.memory_space<vmem>>)
      %dma_wait3A_150 = arith.constant 2 : i32
      %dma_wait3A_151 = arith.constant 0 : i32
      %dma_wait3A_152 = arith.constant 0 : i32
      %dma_wait3A_153 = tpu.memref_slice %arg7[%dma_wait3A_150, %dma_wait3A_151, %dma_wait3A_152] : memref<8x200x32xf32, #tpu.memory_space<vmem>> -> memref<1x200x32xf32, #tpu.memory_space<vmem>>
      %dma_wait3A_154 = tpu.memref_squeeze %dma_wait3A_153 : memref<1x200x32xf32, #tpu.memory_space<vmem>> -> memref<200x32xf32, #tpu.memory_space<vmem>>
      %dma_wait3A_155 = arith.constant 400 : i32
      %dma_wait3A_156 = tpu.memref_slice %arg5[%dma_wait3A_155] : memref<1600xi32, #tpu.memory_space<vmem>> -> memref<200xi32, #tpu.memory_space<vmem>>
      %dma_wait3A_157 = arith.constant 0 : i32
      %dma_wait3A_158 = arith.constant 0 : i32
      %dma_wait3A_159 = tpu.memref_slice %arg2[%dma_wait3A_157, %dma_wait3A_158] : memref<1000000x32xf32, #tpu.memory_space<hbm>> -> memref<1000000x32xf32, #tpu.memory_space<hbm>>
      tpu.wait_indirect_dma semaphore(%arg11 : memref<!tpu.dma_semaphore, #tpu.memory_space<semaphore_mem>>) src(%dma_wait3A_159 : memref<1000000x32xf32, #tpu.memory_space<hbm>>) dst(%dma_wait3A_154 : memref<200x32xf32, #tpu.memory_space<vmem>>)
      %dma_wait3A_160 = arith.constant 3 : i32
      %dma_wait3A_161 = arith.constant 0 : i32
      %dma_wait3A_162 = arith.constant 0 : i32
      %dma_wait3A_163 = tpu.memref_slice %arg7[%dma_wait3A_160, %dma_wait3A_161, %dma_wait3A_162] : memref<8x200x32xf32, #tpu.memory_space<vmem>> -> memref<1x200x32xf32, #tpu.memory_space<vmem>>
      %dma_wait3A_164 = tpu.memref_squeeze %dma_wait3A_163 : memref<1x200x32xf32, #tpu.memory_space<vmem>> -> memref<200x32xf32, #tpu.memory_space<vmem>>
      %dma_wait3A_165 = arith.constant 600 : i32
      %dma_wait3A_166 = tpu.memref_slice %arg5[%dma_wait3A_165] : memref<1600xi32, #tpu.memory_space<vmem>> -> memref<200xi32, #tpu.memory_space<vmem>>
      %dma_wait3A_167 = arith.constant 0 : i32
      %dma_wait3A_168 = arith.constant 0 : i32
      %dma_wait3A_169 = tpu.memref_slice %arg2[%dma_wait3A_167, %dma_wait3A_168] : memref<1000000x32xf32, #tpu.memory_space<hbm>> -> memref<1000000x32xf32, #tpu.memory_space<hbm>>
      tpu.wait_indirect_dma semaphore(%arg11 : memref<!tpu.dma_semaphore, #tpu.memory_space<semaphore_mem>>) src(%dma_wait3A_169 : memref<1000000x32xf32, #tpu.memory_space<hbm>>) dst(%dma_wait3A_164 : memref<200x32xf32, #tpu.memory_space<vmem>>)
      %dma_wait3A_170 = arith.constant 4 : i32
      %dma_wait3A_171 = arith.constant 0 : i32
      %dma_wait3A_172 = arith.constant 0 : i32
      %dma_wait3A_173 = tpu.memref_slice %arg7[%dma_wait3A_170, %dma_wait3A_171, %dma_wait3A_172] : memref<8x200x32xf32, #tpu.memory_space<vmem>> -> memref<1x200x32xf32, #tpu.memory_space<vmem>>
      %dma_wait3A_174 = tpu.memref_squeeze %dma_wait3A_173 : memref<1x200x32xf32, #tpu.memory_space<vmem>> -> memref<200x32xf32, #tpu.memory_space<vmem>>
      %dma_wait3A_175 = arith.constant 800 : i32
      %dma_wait3A_176 = tpu.memref_slice %arg5[%dma_wait3A_175] : memref<1600xi32, #tpu.memory_space<vmem>> -> memref<200xi32, #tpu.memory_space<vmem>>
      %dma_wait3A_177 = arith.constant 0 : i32
      %dma_wait3A_178 = arith.constant 0 : i32
      %dma_wait3A_179 = tpu.memref_slice %arg2[%dma_wait3A_177, %dma_wait3A_178] : memref<1000000x32xf32, #tpu.memory_space<hbm>> -> memref<1000000x32xf32, #tpu.memory_space<hbm>>
      tpu.wait_indirect_dma semaphore(%arg11 : memref<!tpu.dma_semaphore, #tpu.memory_space<semaphore_mem>>) src(%dma_wait3A_179 : memref<1000000x32xf32, #tpu.memory_space<hbm>>) dst(%dma_wait3A_174 : memref<200x32xf32, #tpu.memory_space<vmem>>)
      %dma_wait3A_180 = arith.constant 5 : i32
      %dma_wait3A_181 = arith.constant 0 : i32
      %dma_wait3A_182 = arith.constant 0 : i32
      %dma_wait3A_183 = tpu.memref_slice %arg7[%dma_wait3A_180, %dma_wait3A_181, %dma_wait3A_182] : memref<8x200x32xf32, #tpu.memory_space<vmem>> -> memref<1x200x32xf32, #tpu.memory_space<vmem>>
      %dma_wait3A_184 = tpu.memref_squeeze %dma_wait3A_183 : memref<1x200x32xf32, #tpu.memory_space<vmem>> -> memref<200x32xf32, #tpu.memory_space<vmem>>
      %dma_wait3A_185 = arith.constant 1000 : i32
      %dma_wait3A_186 = tpu.memref_slice %arg5[%dma_wait3A_185] : memref<1600xi32, #tpu.memory_space<vmem>> -> memref<200xi32, #tpu.memory_space<vmem>>
      %dma_wait3A_187 = arith.constant 0 : i32
      %dma_wait3A_188 = arith.constant 0 : i32
      %dma_wait3A_189 = tpu.memref_slice %arg2[%dma_wait3A_187, %dma_wait3A_188] : memref<1000000x32xf32, #tpu.memory_space<hbm>> -> memref<1000000x32xf32, #tpu.memory_space<hbm>>
      tpu.wait_indirect_dma semaphore(%arg11 : memref<!tpu.dma_semaphore, #tpu.memory_space<semaphore_mem>>) src(%dma_wait3A_189 : memref<1000000x32xf32, #tpu.memory_space<hbm>>) dst(%dma_wait3A_184 : memref<200x32xf32, #tpu.memory_space<vmem>>)
      %dma_wait3A_190 = arith.constant 6 : i32
      %dma_wait3A_191 = arith.constant 0 : i32
      %dma_wait3A_192 = arith.constant 0 : i32
      %dma_wait3A_193 = tpu.memref_slice %arg7[%dma_wait3A_190, %dma_wait3A_191, %dma_wait3A_192] : memref<8x200x32xf32, #tpu.memory_space<vmem>> -> memref<1x200x32xf32, #tpu.memory_space<vmem>>
      %dma_wait3A_194 = tpu.memref_squeeze %dma_wait3A_193 : memref<1x200x32xf32, #tpu.memory_space<vmem>> -> memref<200x32xf32, #tpu.memory_space<vmem>>
      %dma_wait3A_195 = arith.constant 1200 : i32
      %dma_wait3A_196 = tpu.memref_slice %arg5[%dma_wait3A_195] : memref<1600xi32, #tpu.memory_space<vmem>> -> memref<200xi32, #tpu.memory_space<vmem>>
      %dma_wait3A_197 = arith.constant 0 : i32
      %dma_wait3A_198 = arith.constant 0 : i32
      %dma_wait3A_199 = tpu.memref_slice %arg2[%dma_wait3A_197, %dma_wait3A_198] : memref<1000000x32xf32, #tpu.memory_space<hbm>> -> memref<1000000x32xf32, #tpu.memory_space<hbm>>
      tpu.wait_indirect_dma semaphore(%arg11 : memref<!tpu.dma_semaphore, #tpu.memory_space<semaphore_mem>>) src(%dma_wait3A_199 : memref<1000000x32xf32, #tpu.memory_space<hbm>>) dst(%dma_wait3A_194 : memref<200x32xf32, #tpu.memory_space<vmem>>)
      %dma_wait3A_200 = arith.constant 7 : i32
      %dma_wait3A_201 = arith.constant 0 : i32
      %dma_wait3A_202 = arith.constant 0 : i32
      %dma_wait3A_203 = tpu.memref_slice %arg7[%dma_wait3A_200, %dma_wait3A_201, %dma_wait3A_202] : memref<8x200x32xf32, #tpu.memory_space<vmem>> -> memref<1x200x32xf32, #tpu.memory_space<vmem>>
      %dma_wait3A_204 = tpu.memref_squeeze %dma_wait3A_203 : memref<1x200x32xf32, #tpu.memory_space<vmem>> -> memref<200x32xf32, #tpu.memory_space<vmem>>
      %dma_wait3A_205 = arith.constant 1400 : i32
      %dma_wait3A_206 = tpu.memref_slice %arg5[%dma_wait3A_205] : memref<1600xi32, #tpu.memory_space<vmem>> -> memref<200xi32, #tpu.memory_space<vmem>>
      %dma_wait3A_207 = arith.constant 0 : i32
      %dma_wait3A_208 = arith.constant 0 : i32
      %dma_wait3A_209 = tpu.memref_slice %arg2[%dma_wait3A_207, %dma_wait3A_208] : memref<1000000x32xf32, #tpu.memory_space<hbm>> -> memref<1000000x32xf32, #tpu.memory_space<hbm>>
      tpu.wait_indirect_dma semaphore(%arg11 : memref<!tpu.dma_semaphore, #tpu.memory_space<semaphore_mem>>) src(%dma_wait3A_209 : memref<1000000x32xf32, #tpu.memory_space<hbm>>) dst(%dma_wait3A_204 : memref<200x32xf32, #tpu.memory_space<vmem>>)
      %dma_start3A_210 = arith.constant 0 : i32
      %dma_start3A_211 = arith.constant 0 : i32
      %dma_start3A_212 = tpu.memref_slice %arg4[%mul3A_41, %dma_start3A_210, %dma_start3A_211] : memref<16384x200x32xf32, #tpu.memory_space<hbm>> -> memref<8x200x32xf32, #tpu.memory_space<hbm>>
      %dma_start3A_213 = arith.constant 0 : i32
      %dma_start3A_214 = arith.constant 0 : i32
      %dma_start3A_215 = tpu.memref_slice %arg4[%mul3A_41, %dma_start3A_213, %dma_start3A_214] : memref<16384x200x32xf32, #tpu.memory_space<hbm>> -> memref<8x200x32xf32, #tpu.memory_space<hbm>>
      tpu.enqueue_dma source(%arg7 : memref<8x200x32xf32, #tpu.memory_space<vmem>>) target(%dma_start3A_215 : memref<8x200x32xf32, #tpu.memory_space<hbm>>) target_semaphore(%arg13 : memref<!tpu.dma_semaphore, #tpu.memory_space<semaphore_mem>>)
      %add3A_216 = arith.constant 2 : i32
      %add3A_217 = arith.addi %mul3A_38, %add3A_216 : i32
      %lt3A = arith.constant 64 : i32
      %lt3A_218 = arith.cmpi slt, %add3A_217, %lt3A : i32
      %convert_element_type3A_219 = arith.extui %lt3A_218 : i1 to i32
      %cond3A_220 = arith.constant 0 : i32
      %cond3A_221 = arith.cmpi ne, %convert_element_type3A_219, %cond3A_220 : i32
      scf.if %cond3A_221 {
        %add3A_413 = arith.constant 2 : i32
        %add3A_414 = arith.addi %add3A_39, %add3A_413 : i32
        %dma_start3A_415 = arith.constant 0 : i32
        %dma_start3A_416 = tpu.memref_slice %arg3[%add3A_414, %dma_start3A_415] : memref<2048x1600xi32, #tpu.memory_space<hbm>> -> memref<1x1600xi32, #tpu.memory_space<hbm>>
        %dma_start3A_417 = tpu.memref_squeeze %dma_start3A_416 : memref<1x1600xi32, #tpu.memory_space<hbm>> -> memref<1600xi32, #tpu.memory_space<hbm>>
        %dma_start3A_418 = arith.constant 0 : i32
        %dma_start3A_419 = tpu.memref_slice %arg3[%add3A_414, %dma_start3A_418] : memref<2048x1600xi32, #tpu.memory_space<hbm>> -> memref<1x1600xi32, #tpu.memory_space<hbm>>
        %dma_start3A_420 = tpu.memref_squeeze %dma_start3A_419 : memref<1x1600xi32, #tpu.memory_space<hbm>> -> memref<1600xi32, #tpu.memory_space<hbm>>
        tpu.enqueue_dma source(%dma_start3A_420 : memref<1600xi32, #tpu.memory_space<hbm>>) target(%arg5 : memref<1600xi32, #tpu.memory_space<vmem>>) target_semaphore(%arg9 : memref<!tpu.dma_semaphore, #tpu.memory_space<semaphore_mem>>)
      } else {
      }
      %mul3A_222 = arith.constant 2 : i32
      %mul3A_223 = arith.muli %mul3A_222, %scan3A_36 : i32
      %add3A_224 = arith.constant 1 : i32
      %add3A_225 = arith.addi %mul3A_223, %add3A_224 : i32
      %add3A_226 = arith.addi %mul3A_2, %add3A_225 : i32
      %mul3A_227 = arith.constant 8 : i32
      %mul3A_228 = arith.muli %add3A_226, %mul3A_227 : i32
      %ge3A_229 = arith.constant 2 : i32
      %ge3A_230 = arith.cmpi sge, %add3A_225, %ge3A_229 : i32
      %convert_element_type3A_231 = arith.extui %ge3A_230 : i1 to i32
      %cond3A_232 = arith.constant 0 : i32
      %cond3A_233 = arith.cmpi ne, %convert_element_type3A_231, %cond3A_232 : i32
      scf.if %cond3A_233 {
        %dma_wait3A_413 = arith.constant 0 : i32
        %dma_wait3A_414 = arith.constant 0 : i32
        %dma_wait3A_415 = tpu.memref_slice %arg4[%mul3A_228, %dma_wait3A_413, %dma_wait3A_414] : memref<16384x200x32xf32, #tpu.memory_space<hbm>> -> memref<8x200x32xf32, #tpu.memory_space<hbm>>
        %dma_wait3A_416 = arith.constant 0 : i32
        %dma_wait3A_417 = arith.constant 0 : i32
        %dma_wait3A_418 = tpu.memref_slice %arg4[%mul3A_228, %dma_wait3A_416, %dma_wait3A_417] : memref<16384x200x32xf32, #tpu.memory_space<hbm>> -> memref<8x200x32xf32, #tpu.memory_space<hbm>>
        tpu.wait_dma2 semaphore(%arg14 : memref<!tpu.dma_semaphore, #tpu.memory_space<semaphore_mem>>) src(%arg8 : memref<8x200x32xf32, #tpu.memory_space<vmem>>) dst(%dma_wait3A_418 : memref<8x200x32xf32, #tpu.memory_space<hbm>>)
      } else {
      }
      %dma_wait3A_234 = arith.constant 0 : i32
      %dma_wait3A_235 = tpu.memref_slice %arg3[%add3A_226, %dma_wait3A_234] : memref<2048x1600xi32, #tpu.memory_space<hbm>> -> memref<1x1600xi32, #tpu.memory_space<hbm>>
      %dma_wait3A_236 = tpu.memref_squeeze %dma_wait3A_235 : memref<1x1600xi32, #tpu.memory_space<hbm>> -> memref<1600xi32, #tpu.memory_space<hbm>>
      %dma_wait3A_237 = arith.constant 0 : i32
      %dma_wait3A_238 = tpu.memref_slice %arg3[%add3A_226, %dma_wait3A_237] : memref<2048x1600xi32, #tpu.memory_space<hbm>> -> memref<1x1600xi32, #tpu.memory_space<hbm>>
      %dma_wait3A_239 = tpu.memref_squeeze %dma_wait3A_238 : memref<1x1600xi32, #tpu.memory_space<hbm>> -> memref<1600xi32, #tpu.memory_space<hbm>>
      tpu.wait_dma2 semaphore(%arg10 : memref<!tpu.dma_semaphore, #tpu.memory_space<semaphore_mem>>) src(%dma_wait3A_239 : memref<1600xi32, #tpu.memory_space<hbm>>) dst(%arg6 : memref<1600xi32, #tpu.memory_space<vmem>>)
      %dma_start3A_240 = arith.constant 0 : i32
      %dma_start3A_241 = arith.constant 0 : i32
      %dma_start3A_242 = arith.constant 0 : i32
      %dma_start3A_243 = tpu.memref_slice %arg8[%dma_start3A_240, %dma_start3A_241, %dma_start3A_242] : memref<8x200x32xf32, #tpu.memory_space<vmem>> -> memref<1x200x32xf32, #tpu.memory_space<vmem>>
      %dma_start3A_244 = tpu.memref_squeeze %dma_start3A_243 : memref<1x200x32xf32, #tpu.memory_space<vmem>> -> memref<200x32xf32, #tpu.memory_space<vmem>>
      %dma_start3A_245 = arith.constant 0 : i32
      %dma_start3A_246 = tpu.memref_slice %arg6[%dma_start3A_245] : memref<1600xi32, #tpu.memory_space<vmem>> -> memref<200xi32, #tpu.memory_space<vmem>>
      %dma_start3A_247 = arith.constant 0 : i32
      %dma_start3A_248 = arith.constant 0 : i32
      %dma_start3A_249 = tpu.memref_slice %arg2[%dma_start3A_247, %dma_start3A_248] : memref<1000000x32xf32, #tpu.memory_space<hbm>> -> memref<1000000x32xf32, #tpu.memory_space<hbm>>
      tpu.enqueue_indirect_dma source(%dma_start3A_249 : memref<1000000x32xf32, #tpu.memory_space<hbm>>) target(%dma_start3A_244 : memref<200x32xf32, #tpu.memory_space<vmem>>) offsets(%dma_start3A_246 : memref<200xi32, #tpu.memory_space<vmem>>) semaphore(%arg12 : memref<!tpu.dma_semaphore, #tpu.memory_space<semaphore_mem>>)
      %dma_start3A_250 = arith.constant 1 : i32
      %dma_start3A_251 = arith.constant 0 : i32
      %dma_start3A_252 = arith.constant 0 : i32
      %dma_start3A_253 = tpu.memref_slice %arg8[%dma_start3A_250, %dma_start3A_251, %dma_start3A_252] : memref<8x200x32xf32, #tpu.memory_space<vmem>> -> memref<1x200x32xf32, #tpu.memory_space<vmem>>
      %dma_start3A_254 = tpu.memref_squeeze %dma_start3A_253 : memref<1x200x32xf32, #tpu.memory_space<vmem>> -> memref<200x32xf32, #tpu.memory_space<vmem>>
      %dma_start3A_255 = arith.constant 200 : i32
      %dma_start3A_256 = tpu.memref_slice %arg6[%dma_start3A_255] : memref<1600xi32, #tpu.memory_space<vmem>> -> memref<200xi32, #tpu.memory_space<vmem>>
      %dma_start3A_257 = arith.constant 0 : i32
      %dma_start3A_258 = arith.constant 0 : i32
      %dma_start3A_259 = tpu.memref_slice %arg2[%dma_start3A_257, %dma_start3A_258] : memref<1000000x32xf32, #tpu.memory_space<hbm>> -> memref<1000000x32xf32, #tpu.memory_space<hbm>>
      tpu.enqueue_indirect_dma source(%dma_start3A_259 : memref<1000000x32xf32, #tpu.memory_space<hbm>>) target(%dma_start3A_254 : memref<200x32xf32, #tpu.memory_space<vmem>>) offsets(%dma_start3A_256 : memref<200xi32, #tpu.memory_space<vmem>>) semaphore(%arg12 : memref<!tpu.dma_semaphore, #tpu.memory_space<semaphore_mem>>)
      %dma_start3A_260 = arith.constant 2 : i32
      %dma_start3A_261 = arith.constant 0 : i32
      %dma_start3A_262 = arith.constant 0 : i32
      %dma_start3A_263 = tpu.memref_slice %arg8[%dma_start3A_260, %dma_start3A_261, %dma_start3A_262] : memref<8x200x32xf32, #tpu.memory_space<vmem>> -> memref<1x200x32xf32, #tpu.memory_space<vmem>>
      %dma_start3A_264 = tpu.memref_squeeze %dma_start3A_263 : memref<1x200x32xf32, #tpu.memory_space<vmem>> -> memref<200x32xf32, #tpu.memory_space<vmem>>
      %dma_start3A_265 = arith.constant 400 : i32
      %dma_start3A_266 = tpu.memref_slice %arg6[%dma_start3A_265] : memref<1600xi32, #tpu.memory_space<vmem>> -> memref<200xi32, #tpu.memory_space<vmem>>
      %dma_start3A_267 = arith.constant 0 : i32
      %dma_start3A_268 = arith.constant 0 : i32
      %dma_start3A_269 = tpu.memref_slice %arg2[%dma_start3A_267, %dma_start3A_268] : memref<1000000x32xf32, #tpu.memory_space<hbm>> -> memref<1000000x32xf32, #tpu.memory_space<hbm>>
      tpu.enqueue_indirect_dma source(%dma_start3A_269 : memref<1000000x32xf32, #tpu.memory_space<hbm>>) target(%dma_start3A_264 : memref<200x32xf32, #tpu.memory_space<vmem>>) offsets(%dma_start3A_266 : memref<200xi32, #tpu.memory_space<vmem>>) semaphore(%arg12 : memref<!tpu.dma_semaphore, #tpu.memory_space<semaphore_mem>>)
      %dma_start3A_270 = arith.constant 3 : i32
      %dma_start3A_271 = arith.constant 0 : i32
      %dma_start3A_272 = arith.constant 0 : i32
      %dma_start3A_273 = tpu.memref_slice %arg8[%dma_start3A_270, %dma_start3A_271, %dma_start3A_272] : memref<8x200x32xf32, #tpu.memory_space<vmem>> -> memref<1x200x32xf32, #tpu.memory_space<vmem>>
      %dma_start3A_274 = tpu.memref_squeeze %dma_start3A_273 : memref<1x200x32xf32, #tpu.memory_space<vmem>> -> memref<200x32xf32, #tpu.memory_space<vmem>>
      %dma_start3A_275 = arith.constant 600 : i32
      %dma_start3A_276 = tpu.memref_slice %arg6[%dma_start3A_275] : memref<1600xi32, #tpu.memory_space<vmem>> -> memref<200xi32, #tpu.memory_space<vmem>>
      %dma_start3A_277 = arith.constant 0 : i32
      %dma_start3A_278 = arith.constant 0 : i32
      %dma_start3A_279 = tpu.memref_slice %arg2[%dma_start3A_277, %dma_start3A_278] : memref<1000000x32xf32, #tpu.memory_space<hbm>> -> memref<1000000x32xf32, #tpu.memory_space<hbm>>
      tpu.enqueue_indirect_dma source(%dma_start3A_279 : memref<1000000x32xf32, #tpu.memory_space<hbm>>) target(%dma_start3A_274 : memref<200x32xf32, #tpu.memory_space<vmem>>) offsets(%dma_start3A_276 : memref<200xi32, #tpu.memory_space<vmem>>) semaphore(%arg12 : memref<!tpu.dma_semaphore, #tpu.memory_space<semaphore_mem>>)
      %dma_start3A_280 = arith.constant 4 : i32
      %dma_start3A_281 = arith.constant 0 : i32
      %dma_start3A_282 = arith.constant 0 : i32
      %dma_start3A_283 = tpu.memref_slice %arg8[%dma_start3A_280, %dma_start3A_281, %dma_start3A_282] : memref<8x200x32xf32, #tpu.memory_space<vmem>> -> memref<1x200x32xf32, #tpu.memory_space<vmem>>
      %dma_start3A_284 = tpu.memref_squeeze %dma_start3A_283 : memref<1x200x32xf32, #tpu.memory_space<vmem>> -> memref<200x32xf32, #tpu.memory_space<vmem>>
      %dma_start3A_285 = arith.constant 800 : i32
      %dma_start3A_286 = tpu.memref_slice %arg6[%dma_start3A_285] : memref<1600xi32, #tpu.memory_space<vmem>> -> memref<200xi32, #tpu.memory_space<vmem>>
      %dma_start3A_287 = arith.constant 0 : i32
      %dma_start3A_288 = arith.constant 0 : i32
      %dma_start3A_289 = tpu.memref_slice %arg2[%dma_start3A_287, %dma_start3A_288] : memref<1000000x32xf32, #tpu.memory_space<hbm>> -> memref<1000000x32xf32, #tpu.memory_space<hbm>>
      tpu.enqueue_indirect_dma source(%dma_start3A_289 : memref<1000000x32xf32, #tpu.memory_space<hbm>>) target(%dma_start3A_284 : memref<200x32xf32, #tpu.memory_space<vmem>>) offsets(%dma_start3A_286 : memref<200xi32, #tpu.memory_space<vmem>>) semaphore(%arg12 : memref<!tpu.dma_semaphore, #tpu.memory_space<semaphore_mem>>)
      %dma_start3A_290 = arith.constant 5 : i32
      %dma_start3A_291 = arith.constant 0 : i32
      %dma_start3A_292 = arith.constant 0 : i32
      %dma_start3A_293 = tpu.memref_slice %arg8[%dma_start3A_290, %dma_start3A_291, %dma_start3A_292] : memref<8x200x32xf32, #tpu.memory_space<vmem>> -> memref<1x200x32xf32, #tpu.memory_space<vmem>>
      %dma_start3A_294 = tpu.memref_squeeze %dma_start3A_293 : memref<1x200x32xf32, #tpu.memory_space<vmem>> -> memref<200x32xf32, #tpu.memory_space<vmem>>
      %dma_start3A_295 = arith.constant 1000 : i32
      %dma_start3A_296 = tpu.memref_slice %arg6[%dma_start3A_295] : memref<1600xi32, #tpu.memory_space<vmem>> -> memref<200xi32, #tpu.memory_space<vmem>>
      %dma_start3A_297 = arith.constant 0 : i32
      %dma_start3A_298 = arith.constant 0 : i32
      %dma_start3A_299 = tpu.memref_slice %arg2[%dma_start3A_297, %dma_start3A_298] : memref<1000000x32xf32, #tpu.memory_space<hbm>> -> memref<1000000x32xf32, #tpu.memory_space<hbm>>
      tpu.enqueue_indirect_dma source(%dma_start3A_299 : memref<1000000x32xf32, #tpu.memory_space<hbm>>) target(%dma_start3A_294 : memref<200x32xf32, #tpu.memory_space<vmem>>) offsets(%dma_start3A_296 : memref<200xi32, #tpu.memory_space<vmem>>) semaphore(%arg12 : memref<!tpu.dma_semaphore, #tpu.memory_space<semaphore_mem>>)
      %dma_start3A_300 = arith.constant 6 : i32
      %dma_start3A_301 = arith.constant 0 : i32
      %dma_start3A_302 = arith.constant 0 : i32
      %dma_start3A_303 = tpu.memref_slice %arg8[%dma_start3A_300, %dma_start3A_301, %dma_start3A_302] : memref<8x200x32xf32, #tpu.memory_space<vmem>> -> memref<1x200x32xf32, #tpu.memory_space<vmem>>
      %dma_start3A_304 = tpu.memref_squeeze %dma_start3A_303 : memref<1x200x32xf32, #tpu.memory_space<vmem>> -> memref<200x32xf32, #tpu.memory_space<vmem>>
      %dma_start3A_305 = arith.constant 1200 : i32
      %dma_start3A_306 = tpu.memref_slice %arg6[%dma_start3A_305] : memref<1600xi32, #tpu.memory_space<vmem>> -> memref<200xi32, #tpu.memory_space<vmem>>
      %dma_start3A_307 = arith.constant 0 : i32
      %dma_start3A_308 = arith.constant 0 : i32
      %dma_start3A_309 = tpu.memref_slice %arg2[%dma_start3A_307, %dma_start3A_308] : memref<1000000x32xf32, #tpu.memory_space<hbm>> -> memref<1000000x32xf32, #tpu.memory_space<hbm>>
      tpu.enqueue_indirect_dma source(%dma_start3A_309 : memref<1000000x32xf32, #tpu.memory_space<hbm>>) target(%dma_start3A_304 : memref<200x32xf32, #tpu.memory_space<vmem>>) offsets(%dma_start3A_306 : memref<200xi32, #tpu.memory_space<vmem>>) semaphore(%arg12 : memref<!tpu.dma_semaphore, #tpu.memory_space<semaphore_mem>>)
      %dma_start3A_310 = arith.constant 7 : i32
      %dma_start3A_311 = arith.constant 0 : i32
      %dma_start3A_312 = arith.constant 0 : i32
      %dma_start3A_313 = tpu.memref_slice %arg8[%dma_start3A_310, %dma_start3A_311, %dma_start3A_312] : memref<8x200x32xf32, #tpu.memory_space<vmem>> -> memref<1x200x32xf32, #tpu.memory_space<vmem>>
      %dma_start3A_314 = tpu.memref_squeeze %dma_start3A_313 : memref<1x200x32xf32, #tpu.memory_space<vmem>> -> memref<200x32xf32, #tpu.memory_space<vmem>>
      %dma_start3A_315 = arith.constant 1400 : i32
      %dma_start3A_316 = tpu.memref_slice %arg6[%dma_start3A_315] : memref<1600xi32, #tpu.memory_space<vmem>> -> memref<200xi32, #tpu.memory_space<vmem>>
      %dma_start3A_317 = arith.constant 0 : i32
      %dma_start3A_318 = arith.constant 0 : i32
      %dma_start3A_319 = tpu.memref_slice %arg2[%dma_start3A_317, %dma_start3A_318] : memref<1000000x32xf32, #tpu.memory_space<hbm>> -> memref<1000000x32xf32, #tpu.memory_space<hbm>>
      tpu.enqueue_indirect_dma source(%dma_start3A_319 : memref<1000000x32xf32, #tpu.memory_space<hbm>>) target(%dma_start3A_314 : memref<200x32xf32, #tpu.memory_space<vmem>>) offsets(%dma_start3A_316 : memref<200xi32, #tpu.memory_space<vmem>>) semaphore(%arg12 : memref<!tpu.dma_semaphore, #tpu.memory_space<semaphore_mem>>)
      %dma_wait3A_320 = arith.constant 0 : i32
      %dma_wait3A_321 = arith.constant 0 : i32
      %dma_wait3A_322 = arith.constant 0 : i32
      %dma_wait3A_323 = tpu.memref_slice %arg8[%dma_wait3A_320, %dma_wait3A_321, %dma_wait3A_322] : memref<8x200x32xf32, #tpu.memory_space<vmem>> -> memref<1x200x32xf32, #tpu.memory_space<vmem>>
      %dma_wait3A_324 = tpu.memref_squeeze %dma_wait3A_323 : memref<1x200x32xf32, #tpu.memory_space<vmem>> -> memref<200x32xf32, #tpu.memory_space<vmem>>
      %dma_wait3A_325 = arith.constant 0 : i32
      %dma_wait3A_326 = tpu.memref_slice %arg6[%dma_wait3A_325] : memref<1600xi32, #tpu.memory_space<vmem>> -> memref<200xi32, #tpu.memory_space<vmem>>
      %dma_wait3A_327 = arith.constant 0 : i32
      %dma_wait3A_328 = arith.constant 0 : i32
      %dma_wait3A_329 = tpu.memref_slice %arg2[%dma_wait3A_327, %dma_wait3A_328] : memref<1000000x32xf32, #tpu.memory_space<hbm>> -> memref<1000000x32xf32, #tpu.memory_space<hbm>>
      tpu.wait_indirect_dma semaphore(%arg12 : memref<!tpu.dma_semaphore, #tpu.memory_space<semaphore_mem>>) src(%dma_wait3A_329 : memref<1000000x32xf32, #tpu.memory_space<hbm>>) dst(%dma_wait3A_324 : memref<200x32xf32, #tpu.memory_space<vmem>>)
      %dma_wait3A_330 = arith.constant 1 : i32
      %dma_wait3A_331 = arith.constant 0 : i32
      %dma_wait3A_332 = arith.constant 0 : i32
      %dma_wait3A_333 = tpu.memref_slice %arg8[%dma_wait3A_330, %dma_wait3A_331, %dma_wait3A_332] : memref<8x200x32xf32, #tpu.memory_space<vmem>> -> memref<1x200x32xf32, #tpu.memory_space<vmem>>
      %dma_wait3A_334 = tpu.memref_squeeze %dma_wait3A_333 : memref<1x200x32xf32, #tpu.memory_space<vmem>> -> memref<200x32xf32, #tpu.memory_space<vmem>>
      %dma_wait3A_335 = arith.constant 200 : i32
      %dma_wait3A_336 = tpu.memref_slice %arg6[%dma_wait3A_335] : memref<1600xi32, #tpu.memory_space<vmem>> -> memref<200xi32, #tpu.memory_space<vmem>>
      %dma_wait3A_337 = arith.constant 0 : i32
      %dma_wait3A_338 = arith.constant 0 : i32
      %dma_wait3A_339 = tpu.memref_slice %arg2[%dma_wait3A_337, %dma_wait3A_338] : memref<1000000x32xf32, #tpu.memory_space<hbm>> -> memref<1000000x32xf32, #tpu.memory_space<hbm>>
      tpu.wait_indirect_dma semaphore(%arg12 : memref<!tpu.dma_semaphore, #tpu.memory_space<semaphore_mem>>) src(%dma_wait3A_339 : memref<1000000x32xf32, #tpu.memory_space<hbm>>) dst(%dma_wait3A_334 : memref<200x32xf32, #tpu.memory_space<vmem>>)
      %dma_wait3A_340 = arith.constant 2 : i32
      %dma_wait3A_341 = arith.constant 0 : i32
      %dma_wait3A_342 = arith.constant 0 : i32
      %dma_wait3A_343 = tpu.memref_slice %arg8[%dma_wait3A_340, %dma_wait3A_341, %dma_wait3A_342] : memref<8x200x32xf32, #tpu.memory_space<vmem>> -> memref<1x200x32xf32, #tpu.memory_space<vmem>>
      %dma_wait3A_344 = tpu.memref_squeeze %dma_wait3A_343 : memref<1x200x32xf32, #tpu.memory_space<vmem>> -> memref<200x32xf32, #tpu.memory_space<vmem>>
      %dma_wait3A_345 = arith.constant 400 : i32
      %dma_wait3A_346 = tpu.memref_slice %arg6[%dma_wait3A_345] : memref<1600xi32, #tpu.memory_space<vmem>> -> memref<200xi32, #tpu.memory_space<vmem>>
      %dma_wait3A_347 = arith.constant 0 : i32
      %dma_wait3A_348 = arith.constant 0 : i32
      %dma_wait3A_349 = tpu.memref_slice %arg2[%dma_wait3A_347, %dma_wait3A_348] : memref<1000000x32xf32, #tpu.memory_space<hbm>> -> memref<1000000x32xf32, #tpu.memory_space<hbm>>
      tpu.wait_indirect_dma semaphore(%arg12 : memref<!tpu.dma_semaphore, #tpu.memory_space<semaphore_mem>>) src(%dma_wait3A_349 : memref<1000000x32xf32, #tpu.memory_space<hbm>>) dst(%dma_wait3A_344 : memref<200x32xf32, #tpu.memory_space<vmem>>)
      %dma_wait3A_350 = arith.constant 3 : i32
      %dma_wait3A_351 = arith.constant 0 : i32
      %dma_wait3A_352 = arith.constant 0 : i32
      %dma_wait3A_353 = tpu.memref_slice %arg8[%dma_wait3A_350, %dma_wait3A_351, %dma_wait3A_352] : memref<8x200x32xf32, #tpu.memory_space<vmem>> -> memref<1x200x32xf32, #tpu.memory_space<vmem>>
      %dma_wait3A_354 = tpu.memref_squeeze %dma_wait3A_353 : memref<1x200x32xf32, #tpu.memory_space<vmem>> -> memref<200x32xf32, #tpu.memory_space<vmem>>
      %dma_wait3A_355 = arith.constant 600 : i32
      %dma_wait3A_356 = tpu.memref_slice %arg6[%dma_wait3A_355] : memref<1600xi32, #tpu.memory_space<vmem>> -> memref<200xi32, #tpu.memory_space<vmem>>
      %dma_wait3A_357 = arith.constant 0 : i32
      %dma_wait3A_358 = arith.constant 0 : i32
      %dma_wait3A_359 = tpu.memref_slice %arg2[%dma_wait3A_357, %dma_wait3A_358] : memref<1000000x32xf32, #tpu.memory_space<hbm>> -> memref<1000000x32xf32, #tpu.memory_space<hbm>>
      tpu.wait_indirect_dma semaphore(%arg12 : memref<!tpu.dma_semaphore, #tpu.memory_space<semaphore_mem>>) src(%dma_wait3A_359 : memref<1000000x32xf32, #tpu.memory_space<hbm>>) dst(%dma_wait3A_354 : memref<200x32xf32, #tpu.memory_space<vmem>>)
      %dma_wait3A_360 = arith.constant 4 : i32
      %dma_wait3A_361 = arith.constant 0 : i32
      %dma_wait3A_362 = arith.constant 0 : i32
      %dma_wait3A_363 = tpu.memref_slice %arg8[%dma_wait3A_360, %dma_wait3A_361, %dma_wait3A_362] : memref<8x200x32xf32, #tpu.memory_space<vmem>> -> memref<1x200x32xf32, #tpu.memory_space<vmem>>
      %dma_wait3A_364 = tpu.memref_squeeze %dma_wait3A_363 : memref<1x200x32xf32, #tpu.memory_space<vmem>> -> memref<200x32xf32, #tpu.memory_space<vmem>>
      %dma_wait3A_365 = arith.constant 800 : i32
      %dma_wait3A_366 = tpu.memref_slice %arg6[%dma_wait3A_365] : memref<1600xi32, #tpu.memory_space<vmem>> -> memref<200xi32, #tpu.memory_space<vmem>>
      %dma_wait3A_367 = arith.constant 0 : i32
      %dma_wait3A_368 = arith.constant 0 : i32
      %dma_wait3A_369 = tpu.memref_slice %arg2[%dma_wait3A_367, %dma_wait3A_368] : memref<1000000x32xf32, #tpu.memory_space<hbm>> -> memref<1000000x32xf32, #tpu.memory_space<hbm>>
      tpu.wait_indirect_dma semaphore(%arg12 : memref<!tpu.dma_semaphore, #tpu.memory_space<semaphore_mem>>) src(%dma_wait3A_369 : memref<1000000x32xf32, #tpu.memory_space<hbm>>) dst(%dma_wait3A_364 : memref<200x32xf32, #tpu.memory_space<vmem>>)
      %dma_wait3A_370 = arith.constant 5 : i32
      %dma_wait3A_371 = arith.constant 0 : i32
      %dma_wait3A_372 = arith.constant 0 : i32
      %dma_wait3A_373 = tpu.memref_slice %arg8[%dma_wait3A_370, %dma_wait3A_371, %dma_wait3A_372] : memref<8x200x32xf32, #tpu.memory_space<vmem>> -> memref<1x200x32xf32, #tpu.memory_space<vmem>>
      %dma_wait3A_374 = tpu.memref_squeeze %dma_wait3A_373 : memref<1x200x32xf32, #tpu.memory_space<vmem>> -> memref<200x32xf32, #tpu.memory_space<vmem>>
      %dma_wait3A_375 = arith.constant 1000 : i32
      %dma_wait3A_376 = tpu.memref_slice %arg6[%dma_wait3A_375] : memref<1600xi32, #tpu.memory_space<vmem>> -> memref<200xi32, #tpu.memory_space<vmem>>
      %dma_wait3A_377 = arith.constant 0 : i32
      %dma_wait3A_378 = arith.constant 0 : i32
      %dma_wait3A_379 = tpu.memref_slice %arg2[%dma_wait3A_377, %dma_wait3A_378] : memref<1000000x32xf32, #tpu.memory_space<hbm>> -> memref<1000000x32xf32, #tpu.memory_space<hbm>>
      tpu.wait_indirect_dma semaphore(%arg12 : memref<!tpu.dma_semaphore, #tpu.memory_space<semaphore_mem>>) src(%dma_wait3A_379 : memref<1000000x32xf32, #tpu.memory_space<hbm>>) dst(%dma_wait3A_374 : memref<200x32xf32, #tpu.memory_space<vmem>>)
      %dma_wait3A_380 = arith.constant 6 : i32
      %dma_wait3A_381 = arith.constant 0 : i32
      %dma_wait3A_382 = arith.constant 0 : i32
      %dma_wait3A_383 = tpu.memref_slice %arg8[%dma_wait3A_380, %dma_wait3A_381, %dma_wait3A_382] : memref<8x200x32xf32, #tpu.memory_space<vmem>> -> memref<1x200x32xf32, #tpu.memory_space<vmem>>
      %dma_wait3A_384 = tpu.memref_squeeze %dma_wait3A_383 : memref<1x200x32xf32, #tpu.memory_space<vmem>> -> memref<200x32xf32, #tpu.memory_space<vmem>>
      %dma_wait3A_385 = arith.constant 1200 : i32
      %dma_wait3A_386 = tpu.memref_slice %arg6[%dma_wait3A_385] : memref<1600xi32, #tpu.memory_space<vmem>> -> memref<200xi32, #tpu.memory_space<vmem>>
      %dma_wait3A_387 = arith.constant 0 : i32
      %dma_wait3A_388 = arith.constant 0 : i32
      %dma_wait3A_389 = tpu.memref_slice %arg2[%dma_wait3A_387, %dma_wait3A_388] : memref<1000000x32xf32, #tpu.memory_space<hbm>> -> memref<1000000x32xf32, #tpu.memory_space<hbm>>
      tpu.wait_indirect_dma semaphore(%arg12 : memref<!tpu.dma_semaphore, #tpu.memory_space<semaphore_mem>>) src(%dma_wait3A_389 : memref<1000000x32xf32, #tpu.memory_space<hbm>>) dst(%dma_wait3A_384 : memref<200x32xf32, #tpu.memory_space<vmem>>)
      %dma_wait3A_390 = arith.constant 7 : i32
      %dma_wait3A_391 = arith.constant 0 : i32
      %dma_wait3A_392 = arith.constant 0 : i32
      %dma_wait3A_393 = tpu.memref_slice %arg8[%dma_wait3A_390, %dma_wait3A_391, %dma_wait3A_392] : memref<8x200x32xf32, #tpu.memory_space<vmem>> -> memref<1x200x32xf32, #tpu.memory_space<vmem>>
      %dma_wait3A_394 = tpu.memref_squeeze %dma_wait3A_393 : memref<1x200x32xf32, #tpu.memory_space<vmem>> -> memref<200x32xf32, #tpu.memory_space<vmem>>
      %dma_wait3A_395 = arith.constant 1400 : i32
      %dma_wait3A_396 = tpu.memref_slice %arg6[%dma_wait3A_395] : memref<1600xi32, #tpu.memory_space<vmem>> -> memref<200xi32, #tpu.memory_space<vmem>>
      %dma_wait3A_397 = arith.constant 0 : i32
      %dma_wait3A_398 = arith.constant 0 : i32
      %dma_wait3A_399 = tpu.memref_slice %arg2[%dma_wait3A_397, %dma_wait3A_398] : memref<1000000x32xf32, #tpu.memory_space<hbm>> -> memref<1000000x32xf32, #tpu.memory_space<hbm>>
      tpu.wait_indirect_dma semaphore(%arg12 : memref<!tpu.dma_semaphore, #tpu.memory_space<semaphore_mem>>) src(%dma_wait3A_399 : memref<1000000x32xf32, #tpu.memory_space<hbm>>) dst(%dma_wait3A_394 : memref<200x32xf32, #tpu.memory_space<vmem>>)
      %dma_start3A_400 = arith.constant 0 : i32
      %dma_start3A_401 = arith.constant 0 : i32
      %dma_start3A_402 = tpu.memref_slice %arg4[%mul3A_228, %dma_start3A_400, %dma_start3A_401] : memref<16384x200x32xf32, #tpu.memory_space<hbm>> -> memref<8x200x32xf32, #tpu.memory_space<hbm>>
      %dma_start3A_403 = arith.constant 0 : i32
      %dma_start3A_404 = arith.constant 0 : i32
      %dma_start3A_405 = tpu.memref_slice %arg4[%mul3A_228, %dma_start3A_403, %dma_start3A_404] : memref<16384x200x32xf32, #tpu.memory_space<hbm>> -> memref<8x200x32xf32, #tpu.memory_space<hbm>>
      tpu.enqueue_dma source(%arg8 : memref<8x200x32xf32, #tpu.memory_space<vmem>>) target(%dma_start3A_405 : memref<8x200x32xf32, #tpu.memory_space<hbm>>) target_semaphore(%arg14 : memref<!tpu.dma_semaphore, #tpu.memory_space<semaphore_mem>>)
      %add3A_406 = arith.constant 2 : i32
      %add3A_407 = arith.addi %add3A_225, %add3A_406 : i32
      %lt3A_408 = arith.constant 64 : i32
      %lt3A_409 = arith.cmpi slt, %add3A_407, %lt3A_408 : i32
      %convert_element_type3A_410 = arith.extui %lt3A_409 : i1 to i32
      %cond3A_411 = arith.constant 0 : i32
      %cond3A_412 = arith.cmpi ne, %convert_element_type3A_410, %cond3A_411 : i32
      scf.if %cond3A_412 {
        %add3A_413 = arith.constant 2 : i32
        %add3A_414 = arith.addi %add3A_226, %add3A_413 : i32
        %dma_start3A_415 = arith.constant 0 : i32
        %dma_start3A_416 = tpu.memref_slice %arg3[%add3A_414, %dma_start3A_415] : memref<2048x1600xi32, #tpu.memory_space<hbm>> -> memref<1x1600xi32, #tpu.memory_space<hbm>>
        %dma_start3A_417 = tpu.memref_squeeze %dma_start3A_416 : memref<1x1600xi32, #tpu.memory_space<hbm>> -> memref<1600xi32, #tpu.memory_space<hbm>>
        %dma_start3A_418 = arith.constant 0 : i32
        %dma_start3A_419 = tpu.memref_slice %arg3[%add3A_414, %dma_start3A_418] : memref<2048x1600xi32, #tpu.memory_space<hbm>> -> memref<1x1600xi32, #tpu.memory_space<hbm>>
        %dma_start3A_420 = tpu.memref_squeeze %dma_start3A_419 : memref<1x1600xi32, #tpu.memory_space<hbm>> -> memref<1600xi32, #tpu.memory_space<hbm>>
        tpu.enqueue_dma source(%dma_start3A_420 : memref<1600xi32, #tpu.memory_space<hbm>>) target(%arg6 : memref<1600xi32, #tpu.memory_space<vmem>>) target_semaphore(%arg10 : memref<!tpu.dma_semaphore, #tpu.memory_space<semaphore_mem>>)
      } else {
      }
    }
    %scan3A_20 = arith.constant 32 : i32
    %dma_wait3A = arith.constant 0 : i32
    %dma_wait3A_21 = arith.constant 0 : i32
    %dma_wait3A_22 = arith.constant 0 : i32
    %dma_wait3A_23 = tpu.memref_slice %arg4[%dma_wait3A, %dma_wait3A_21, %dma_wait3A_22] : memref<16384x200x32xf32, #tpu.memory_space<hbm>> -> memref<8x200x32xf32, #tpu.memory_space<hbm>>
    %dma_wait3A_24 = arith.constant 0 : i32
    %dma_wait3A_25 = arith.constant 0 : i32
    %dma_wait3A_26 = arith.constant 0 : i32
    %dma_wait3A_27 = tpu.memref_slice %arg4[%dma_wait3A_24, %dma_wait3A_25, %dma_wait3A_26] : memref<16384x200x32xf32, #tpu.memory_space<hbm>> -> memref<8x200x32xf32, #tpu.memory_space<hbm>>
    tpu.wait_dma2 semaphore(%arg13 : memref<!tpu.dma_semaphore, #tpu.memory_space<semaphore_mem>>) src(%arg7 : memref<8x200x32xf32, #tpu.memory_space<vmem>>) dst(%dma_wait3A_27 : memref<8x200x32xf32, #tpu.memory_space<hbm>>)
    %dma_wait3A_28 = arith.constant 0 : i32
    %dma_wait3A_29 = arith.constant 0 : i32
    %dma_wait3A_30 = arith.constant 0 : i32
    %dma_wait3A_31 = tpu.memref_slice %arg4[%dma_wait3A_28, %dma_wait3A_29, %dma_wait3A_30] : memref<16384x200x32xf32, #tpu.memory_space<hbm>> -> memref<8x200x32xf32, #tpu.memory_space<hbm>>
    %dma_wait3A_32 = arith.constant 0 : i32
    %dma_wait3A_33 = arith.constant 0 : i32
    %dma_wait3A_34 = arith.constant 0 : i32
    %dma_wait3A_35 = tpu.memref_slice %arg4[%dma_wait3A_32, %dma_wait3A_33, %dma_wait3A_34] : memref<16384x200x32xf32, #tpu.memory_space<hbm>> -> memref<8x200x32xf32, #tpu.memory_space<hbm>>
    tpu.wait_dma2 semaphore(%arg14 : memref<!tpu.dma_semaphore, #tpu.memory_space<semaphore_mem>>) src(%arg8 : memref<8x200x32xf32, #tpu.memory_space<vmem>>) dst(%dma_wait3A_35 : memref<8x200x32xf32, #tpu.memory_space<hbm>>)
    return
  }
}

</mosaic_0001>

<sc_bundles>
// kernel: kernel.3.cloned.1.call-start
scs
__scs_entry_jumppad:
0x0: {  	(pc) =	sbr.rel $0x88, $3  }
0x1: {  	(tag) =	ssettag $0x0;
	lr =	simm.s32 $0x1  }
0x2: {  	[smem:$0x3F9F] =	sst lr;
	_ =	strace $0xD0000000  }
0x3: {  	_ = 	snop  }
0x4: {  	_ = 	snop  }
0x5: {  	_ = 	snop  }
0x6: {  	_ = 	snop  }
0x7: {  	_ = 	snop  }
__scs_overlays_trampoline_lowered:
0x8: {  	[smem:$0x3FAE] =	sst s0  }
0x9: {  	[smem:$0x3FAF] =	sst s1  }
0xa: {  	[smem:$0x3FB0] =	sst s2  }
0xb: {  	[smem:$0x3FB1] =	sst s3  }
0xc: {  	[smem:$0x3FB2] =	sst s4  }
0xd: {  	[smem:$0x3FB3] =	sst s5  }
0xe: {  	[smem:$0x3FB4] =	sst s6  }
0xf: {  	[smem:$0x3FB5] =	sst s7  }
0x10: {  	[smem:$0x3FB6] =	sst s8  }
0x11: {  	[smem:$0x3FB7] =	sst s9;
	s0 =	simm.s32 @!p0 $0x0  }
0x12: {  	s1 =	sld [smem:$0x3F9D];
	s0 =	simm.s32 @p0 $0x1  }
0x13: {  	[smem:$0x3FB8] =	sst s0;
	s0 =	simm.s32 @!p1 $0x0  }
0x14: {  	s2 =	sld [smem:$0x3F9C];
	s0 =	simm.s32 @p1 $0x1  }
0x15: {  	[smem:$0x3FB9] =	sst s0;
	s0 =	simm.s32 @!p2 $0x0  }
0x16: {  	s3 =	sld [smem:$0x3FDB];
	s0 =	simm.s32 @p2 $0x1  }
0x17: {  	s4 =	simm.s32 $0x1BF5;
	[smem:$0x3FBB] =	sst s0  }
0x18: {  	s0 =	sld [smem:$0x3F9E];
	_ =	swait.ge [sflag:s4], $0x0  }
0x19: {  	s7 =	sld [smem:$0x3F9F]  }
0x1a: {  	s8 =	sadd.s32 $0xFFFFE003, lr  }
0x1b: {  	s9 =	sadd.s32 $0xFFFFFEF7, lr;
	s5 =	simm.s32 $0xFFFFFFFF;
	p2 =	slt.u32 s8, $0xFFFFF086  }
0x1c: {  	p1 =	slt.u32 s9, $0xF7A;
	s5 =	simm.s32 @!p2 $0x0  }
0x1d: {  	s5 =	simm.s32 @p1 $0x1;
	p0 =	seq.s32 s7, s2  }
0x1e: {  	s7 =	smul.u32 @!p0 $0xF7A, s2;
	p2 =	seq.s32 @!p0 s5, $0x0  }
0x1f: {  	s9 =	smul.u32 $0xF7A, s1;
	s8 =	simm.s32 @!p0 $0x1BF5;
	p2 =	por !p2, p0  }
0x20: {  	[sflag:s8] =	ssyncset.s32 @!p0 $0xFFFFF086;
	s6 =	sadd.s32 @!p0 s3, s7;
	s7 =	simm.s32 @!p0 $0x108  }
0x21: {  	s3 =	sadd.s32 s3, s9;
	s6 =	sadd.s32 @!p0 $0x88, s6;
	s7 =	simm.s32 @p2 $0x1082  }
0x22: {  	[simem:s7], [sflag:s8] =	dma.local @!p0 [hbm:s6], $0xF7A  }
0x23: {  	s9 =	sor.u32 $0xD0000000, s2;
	s6 =	simm.s32 $0x108;
	_ =	swait.ge @!p0 [sflag:s8], $0x0  }
0x24: {  	s3 =	sadd.s32 $0x88, s3;
	s6 =	simm.s32 @!p1 $0x1082;
	[sflag:s4] =	ssyncset.s32 $0xFFFFF086  }
0x25: {  	[simem:s6], [sflag:s4] =	dma.local [hbm:s3], $0xF7A  }
0x26: {  	[smem:$0x3F9F] =	sst s1;
	(tag) =	ssettag s2;
	_ =	strace s9  }
0x27: {  	s1 =	sld [smem:$0x3FAF]  }
0x28: {  	s2 =	sld [smem:$0x3FB0]  }
0x29: {  	s4 =	sld [smem:$0x3FB2]  }
0x2a: {  	p0 =	seq.s32 s5, $0x0;
	s5 =	sld [smem:$0x3FB3]  }
0x2b: {  	s6 =	sld [smem:$0x3FB4]  }
0x2c: {  	s7 =	sld [smem:$0x3FB5]  }
0x2d: {  	s3 =	simm.s32 $0x108;
	s8 =	sld [smem:$0x3FB6]  }
0x2e: {  	s3 =	simm.s32 @!p0 $0x1082;
	s9 =	sld [smem:$0x3FB7]  }
0x2f: {  	lr =	sadd.s32 s0, s3;
	s0 =	sld [smem:$0x3FAE]  }
0x30: {  	s3 =	sld [smem:$0x3FB1]  }
0x31: {  	[smem:$0x3FBA] =	sst s10  }
0x32: {  	s10 =	sld [smem:$0x3FB8];
	_ =	sdelay $0x3  }
0x33: {  	p0 =	seq.s32 s10, $0x1;
	s10 =	sld [smem:$0x3FBA];
	_ =	sdelay $0x3  }
0x34: {  	[smem:$0x3FBA] =	sst s10  }
0x35: {  	s10 =	sld [smem:$0x3FB9];
	_ =	sdelay $0x3  }
0x36: {  	p1 =	seq.s32 s10, $0x1;
	s10 =	sld [smem:$0x3FBA];
	_ =	sdelay $0x3  }
0x37: {  	[smem:$0x3FBA] =	sst s10  }
0x38: {  	s10 =	sld [smem:$0x3FBB]  }
0x39: {  	_ = 	snop;
	(pc) =	sbr.ind lr, $3  }
0x3a: {  	_ = 	snop  }
0x3b: {  	_ = 	snop  }
0x3c: {  	p2 =	seq.s32 s10, $0x1;
	s10 =	sld [smem:$0x3FBA]  }
0x3d: {  	_ =	shalt  }
0x3e: {  	_ =	shalt  }
0x3f: {  	_ =	shalt  }
0x40: {  	_ =	shalt  }
0x41: {  	_ =	shalt  }
0x42: {  	_ =	shalt  }
0x43: {  	_ =	shalt  }
0x44: {  	_ =	shalt  }
0x45: {  	_ =	shalt  }
0x46: {  	_ =	shalt  }
0x47: {  	_ =	shalt  }
0x48: {  	_ =	shalt  }
0x49: {  	_ =	shalt  }
0x4a: {  	_ =	shalt  }
0x4b: {  	_ =	shalt  }
0x4c: {  	_ =	shalt  }
0x4d: {  	_ =	shalt  }
0x4e: {  	_ =	shalt  }
0x4f: {  	_ =	shalt  }
0x50: {  	_ =	shalt  }
0x51: {  	_ =	shalt  }
0x52: {  	_ =	shalt  }
0x53: {  	_ =	shalt  }
0x54: {  	_ =	shalt  }
0x55: {  	_ =	shalt  }
0x56: {  	_ =	shalt  }
0x57: {  	_ =	shalt  }
0x58: {  	_ =	shalt  }
0x59: {  	_ =	shalt  }
0x5a: {  	_ =	shalt  }
0x5b: {  	_ =	shalt  }
0x5c: {  	_ =	shalt  }
0x5d: {  	_ =	shalt  }
0x5e: {  	_ =	shalt  }
0x5f: {  	_ =	shalt  }
0x60: {  	_ =	shalt  }
0x61: {  	_ =	shalt  }
0x62: {  	_ =	shalt  }
0x63: {  	_ =	shalt  }
0x64: {  	_ =	shalt  }
0x65: {  	_ =	shalt  }
0x66: {  	_ =	shalt  }
0x67: {  	_ =	shalt  }
0x68: {  	_ =	shalt  }
0x69: {  	_ =	shalt  }
0x6a: {  	_ =	shalt  }
0x6b: {  	_ =	shalt  }
0x6c: {  	_ =	shalt  }
0x6d: {  	_ =	shalt  }
0x6e: {  	_ =	shalt  }
0x6f: {  	_ =	shalt  }
0x70: {  	_ =	shalt  }
0x71: {  	_ =	shalt  }
0x72: {  	_ =	shalt  }
0x73: {  	_ =	shalt  }
0x74: {  	_ =	shalt  }
0x75: {  	_ =	shalt  }
0x76: {  	_ =	shalt  }
0x77: {  	_ =	shalt  }
0x78: {  	_ =	shalt  }
0x79: {  	_ =	shalt  }
0x7a: {  	_ =	shalt  }
0x7b: {  	_ =	shalt  }
0x7c: {  	_ =	shalt  }
0x7d: {  	_ =	shalt  }
0x7e: {  	_ =	shalt  }
0x7f: {  	_ =	shalt  }
0x80: {  	_ =	shalt  }
0x81: {  	_ =	shalt  }
0x82: {  	_ =	shalt  }
0x83: {  	_ =	shalt  }
0x84: {  	_ =	shalt  }
0x85: {  	_ =	shalt  }
0x86: {  	_ =	shalt  }
0x87: {  	_ =	shalt  }
.Lfunc_end0:
.L_simem_size_0:
called_computation.1_lowered:
.L_overlay_start_0:
0x88: {  	s2 =	sld [smem:$0x3FD9]  }
0x89: {  	s3 =	sld [smem:$0x3FFE];
	_ =	sdelay $0x1  }
0x8a: {  	s1 =	srdreg.scid  }
0x8b: {  	s0 =	sand.u32 $0x1, s1  }
0x8c: {  	s17 =	sshll.u32 s0, $0xA;
	s2 =	sadd.s32 s3, s2  }
0x8d: {  	s2 =	sadd.s32 s2, s17  }
0x8e: {  	[smem:$0x3FC6] =	sst s2  }
0x8f: {  	_ = 	snop  }
0x90: {  	s2 =	sld [smem:$0x3FD0];
	(tm) =	ssettm $0x1  }
0x91: {  	s18 =	sld [smem:$0x3FFB];
	_ =	sdelay $0x3  }
0x92: {  	_ =	strace s18  }
0x93: {  	s3 =	sld [smem:$0x3FFC];
	_ =	sdelay $0x3  }
0x94: {  	_ =	strace s3  }
0x95: {  	s3 =	sld [smem:$0x3FFD];
	_ =	sdelay $0x3  }
0x96: {  	_ =	strace s3  }
0x97: {  	_ =	strace $0x8FFFFFFF  }
0x98: {  	s19 =	sld [smem:$0x3FDB];
	_ =	sdelay $0x1  }
0x99: {  	s4 =	simm.s32 $_scs_section_size  }
0x9a: {  	s5 =	simm.s32 $_size__tile_overlayer_lowered;
	s6 =	simm.s32 $_tile_overlayer_lowered  }
0x9b: {  	s22 =	simm.s32 $0x1BFF;
	s21 =	sshll.u32 s6, $0x1;
	s3 =	sadd.s32 s4, s19  }
0x9c: {  	s7 =	simm.s32 $0x0;
	s20 =	sshll.u32 s5, $0x1;
	s5 =	sadd.s32 s21, s3  }
0x9d: {  	[timem:s7], [sflag:s22] =	dma.local [hbm:s5], s20  }
0x9e: {  	_ =	swait.ge [sflag:s22], s20  }
0x9f: {  	s4 =	ssub.s32 $0x0, s20;
	[sflag:s22] =	ssyncset.done $0x0  }
0xa0: {  	[sflag:s22] =	ssyncadd.s32 s4;
	_ =	sdelay $0x1  }
0xa1: {  	s23 =	simm.s32 $0x1B8B  }
0xa2: {  	_ =	swait.ge [sflag:s23], $0x1  }
0xa3: {  	[sflag:s23] =	ssyncset.done $0x0  }
0xa4: {  	s25 =	simm.s32 $0x1B8E;
	s24 =	sld [smem:$0x3FFE];
	[sflag:s23] =	ssyncadd.s32 $0xFFFFFFFF  }
0xa5: {  	s26 =	simm.s32 $execute0_lowered;
	[smem:$0x3FD2] =	sst s25  }
0xa6: {  	s5 =	sshll.u32 s26, $0x1;
	_ =	strace $0x80000046;
	[dreg:$0x1] =	wrdreg $0xFFFFFFFF  }
0xa7: {  	s28 =	simm.s32 $_size_execute0_lowered;
	s3 =	sadd.s32 s3, s5;
	[dreg:$0x0] =	wrdreg $0x0  }
0xa8: {  	s5 =	sshll.u32 s28, $0x1;
	[dreg:$0x2] =	wrdreg s3  }
0xa9: {  	[dreg:$0x3] =	wrdreg s5  }
0xaa: {  	[dreg:$0x4] =	wrdreg $0xC0  }
0xab: {  	_ =	task [dreg:s7], $0x5FFFF  }
0xac: {  	[dreg:$0x1] =	wrdreg $0xFFFFFFFF  }
0xad: {  	[dreg:$0x0] =	wrdreg $0x60  }
0xae: {  	[dreg:$0x2] =	wrdreg s24  }
0xaf: {  	[dreg:$0x3] =	wrdreg s2  }
0xb0: {  	[dreg:$0x4] =	wrdreg $0x9  }
0xb1: {  	_ =	task.clear_ibuf [dreg:s7], $0x5FFFF;
	_ =	strace $0x90000046  }
0xb2: {  	s29 =	simm.s32 $0x9;
	_ =	strace $0x80000048  }
0xb3: {  	_ =	swait.ge [sflag:s29], $0x1  }
0xb4: {  	[sflag:s29] =	ssyncadd.s32 $0xFFFFFFFF  }
0xb5: {  	_ =	strace $0x90000048  }
0xb6: {  	_ =	sfence  }
0xb7: {  	s30 =	sld [smem:$0x0];
	_ =	sdelay $0x2  }
0xb8: {  	s31 =	sshll.u32 s1, $0xD;
	s1 =	sshrl.u32 s1, $0x2  }
0xb9: {  	s3 =	sand.u32 $0x4000, s31;
	s1 =	sadd.s32 s1, s30  }
0xba: {  	s0 =	sor.u32 s3, s0;
	s1 =	sshll.u32 s1, $0x11  }
0xbb: {  	s0 =	sor.u32 s1, s0  }
0xbc: {  	s0 =	sadd.s32 $0x8F2B, s0  }
0xbd: {  	[sflag:s0] =	ssyncadd.remote.s32 $0x1  }
0xbe: {  	_ =	sfence.sel $0xFFFF  }
0xbf: {  	[dreg:$0x0] =	wrdreg $0xFFFFFFFF;
	(pc) =	sbr.abs _section_cstart, $3  }
0xc0: {  	[dreg:$0x1] =	wrdreg $0xFFFFFFFF  }
0xc1: {  	_ =	task.clear_ibuf [dreg:s7], $0x2FFFF;
	_ =	strace $0x9FFFFFFF  }
0xc2: {  	(tm) =	ssettm $0x7FFFFFFF  }
0xc3: {  	_ =	shalt  }
tec
execute0_lowered:
.L_overlay_start_1:
0x0: {  	(tag) =	ssettag $0x1  }
0x1: {  	s0 =	rddreg [dreg:$0x0]  }
0x2: {  	s10 =	rddreg [dreg:$0x1]  }
0x3: {  	s1 =	srdreg.scid;
	s3 =	simm.s32 $0x0;
	s9 =	stileid.u32  }
0x4: {  	s13 =	simm.s32 $0x640;
	s14 =	simm.s32 $0x1;
	s15 =	simm.s32 $0xC8  }
0x5: {  	s16 =	simm.s32 $0xC80;
	s31 =	simm.s32 $0x3;
	s12 =	simm.s32 $0x898  }
0x6: {  	s17 =	simm.s32 $0x960;
	s18 =	simm.s32 $0x13880;
	s19 =	simm.s32 $0xA28  }
0x7: {  	s20 =	simm.s32 $0x15180;
	s21 =	simm.s32 $0xAF0;
	s22 =	simm.s32 $0x16A80  }
0x8: {  	s23 =	simm.s32 $0xBB8;
	s24 =	simm.s32 $0x18380;
	s1 =	sand.u32 $0x1, s1  }
0x9: {  	[smem:$0x7FF] =	sst s3;
	s2 =	sshll.u32 s9, $0x7;
	s7 =	smul.u32 $0x32000, s9  }
0xa: {  	s5 =	sadd.s32 $0x800, s0;
	s9 =	smul.u32 $0xC8000, s9;
	s4 =	sshll.u32 s1, $0x6  }
0xb: {  	_ =	strace $0x80000047;
	s25 =	ssub.s32 $0x2, s1;
	s26 =	smul.u32 $0x19000, s1  }
0xc: {  	s1 =	smul.u32 $0x64000, s1;
	s2 =	sor.u32 s4, s2;
	s4 =	sadd.s32 $0xFA6C00, s0  }
0xd: {  	s8 =	sshrl.u32 s25, $0x1;
	s29 =	sadd.s32 s9, s10;
	s6 =	smul.u32 $0xC8, s2  }
0xe: {  	s0 =	ssub.s32 s25, s8;
	s8 =	sor.u32 $0x3F, s2;
	s10 =	sor.u32 $0x1, s2  }
0xf: {  	s2 =	simm.s32 $0x11F80;
	s25 =	simm.s32 $0x4;
	s0 =	smax.u32 s0, $0x1  }
0x10: {  	s11 =	sadd.s32 s5, s6;
	s6 =	sadd.s32 s26, s7;
	[dreg:$0x5] =	wrdreg s0  }
.Ltmp0:
0x11: {  	s0 =	sadd.s32 s1, s29;
	s1 =	simm.s32 $0xD480;
	(pc) =	sbr.rel .LBB2_1-.Ltmp0, $4  }
0x12: {  	s26 =	simm.s32 $0x6;
	[dreg:$0x3] =	wrdreg s11;
	s6 =	sor.u32 $0xC80, s6  }
0x13: {  	s28 =	sadd.s32 $0xC8, s11;
	[dreg:$0x6] =	wrdreg s0;
	s30 =	sshrl.u32 s6, $0x3  }
0x14: {  	s7 =	simm.s32 $0x0;
	[dreg:$0x4] =	wrdreg s28;
	s0 =	sadd.s32 s30, s5  }
0x15: {  	s11 =	simm.s32 $0x10680;
	[dreg:$0x7] =	wrdreg s0;
	s0 =	simm.s32 $0x2  }
.LBB2_6:
0x16: {  	s6 =	simm.s32 $0x5  }
0x17: {  	_ =	swait.ge [sflag:s6], $0xC800  }
0x18: {  	[sflag:s6] =	ssyncset.done $0x0  }
0x19: {  	[sflag:s6] =	ssyncadd.s32 $0xFFFF3800  }
0x1a: {  	_ =	swait.ge [sflag:s26], $0xC800  }
0x1b: {  	s7 =	rddreg [dreg:$0x8]  }
0x1c: {  	s30 =	rddreg [dreg:$0x5];
	s7 =	sadd.s32 $0x1, s7  }
0x1d: {  	p0 =	sne.s32 s7, s30  }
.Ltmp1:
0x1e: {  	_ = 	snop;
	(pc) =	sbr.rel @!p0 .LBB2_7-.Ltmp1, $3  }
0x1f: {  	_ =	sdelay $0x1  }
0x20: {  	[sflag:s26] =	ssyncset.done $0x0  }
0x21: {  	[sflag:s26] =	ssyncadd.s32 $0xFFFF3800  }
.LBB2_1:
0x22: {  	[dreg:$0x8] =	wrdreg s7  }
0x23: {  	s6 =	rddreg [dreg:$0x3]  }
0x24: {  	s9 =	rddreg [dreg:$0x4]  }
0x25: {  	s28 =	rddreg [dreg:$0x7]  }
0x26: {  	[tilespmem:s3], [sflag:$0x1] =	stream.linear.gather [hbm4b:s6+s3], $0x640, $0x38;
	[tilespmem:$0x19C80] =	vst v63  }
0x27: {  	s29 =	rddreg [dreg:$0x6];
	s30 =	simm.s32 $0x0  }
0x28: {  	[tilespmem:s13], [sflag:$0x2] =	stream.linear.gather [hbm4b:s9+s3], $0x640, $0x38;
	[tilespmem:$0x19C80] =	vst v63  }
.LBB2_2:
0x29: {  	p0 =	seq.s32 s30, $0x0  }
0x2a: {  	s7 =	simm.s32 @!p0 $0x5  }
0x2b: {  	_ =	swait.ge @!p0 [sflag:s7], $0xC800  }
0x2c: {  	[sflag:s7] =	ssyncset.done @!p0 $0x0  }
0x2d: {  	[sflag:s7] =	ssyncadd.s32 @!p0 $0xFFFF3800  }
0x2e: {  	_ =	swait.ge [sflag:s14], $0x640  }
0x2f: {  	[sflag:s14] =	ssyncset.done $0x0  }
0x30: {  	[sflag:s14] =	ssyncadd.s32 $0xFFFFF9C0  }
0x31: {  	[tilespmem:s16], [sflag:$0x3] =	stream.indirect.gather [hbm4b:s4+s15], $0x20, s3, s15, $0xb8;
	[tilespmem:$0x19C80] =	vst v63  }
0x32: {  	s6 =	simm.s32 $0x2580  }
0x33: {  	[tilespmem:s6], [sflag:$0x3] =	stream.indirect.gather [hbm4b:s4+s15], $0x20, s15, s15, $0xb8;
	[tilespmem:$0x19C80] =	vst v63  }
0x34: {  	s9 =	simm.s32 $0x3E80;
	s7 =	simm.s32 $0x190  }
0x35: {  	[tilespmem:s9], [sflag:$0x3] =	stream.indirect.gather [hbm4b:s4+s15], $0x20, s7, s15, $0xb8;
	[tilespmem:$0x19C80] =	vst v63  }
0x36: {  	s7 =	simm.s32 $0x258;
	s9 =	simm.s32 $0x5780  }
0x37: {  	[tilespmem:s9], [sflag:$0x3] =	stream.indirect.gather [hbm4b:s4+s15], $0x20, s7, s15, $0xb8;
	[tilespmem:$0x19C80] =	vst v63  }
0x38: {  	s7 =	simm.s32 $0x320;
	s9 =	simm.s32 $0x7080  }
0x39: {  	[tilespmem:s9], [sflag:$0x3] =	stream.indirect.gather [hbm4b:s4+s15], $0x20, s7, s15, $0xb8;
	[tilespmem:$0x19C80] =	vst v63  }
0x3a: {  	s7 =	simm.s32 $0x3E8;
	s9 =	simm.s32 $0x8980  }
0x3b: {  	[tilespmem:s9], [sflag:$0x3] =	stream.indirect.gather [hbm4b:s4+s15], $0x20, s7, s15, $0xb8;
	[tilespmem:$0x19C80] =	vst v63  }
0x3c: {  	s7 =	simm.s32 $0x4B0;
	s9 =	simm.s32 $0xA280  }
0x3d: {  	[tilespmem:s9], [sflag:$0x3] =	stream.indirect.gather [hbm4b:s4+s15], $0x20, s7, s15, $0xb8;
	[tilespmem:$0x19C80] =	vst v63  }
0x3e: {  	s7 =	simm.s32 $0x578;
	s9 =	simm.s32 $0xBB80  }
0x3f: {  	[tilespmem:s9], [sflag:$0x3] =	stream.indirect.gather [hbm4b:s4+s15], $0x20, s7, s15, $0xb8;
	[tilespmem:$0x19C80] =	vst v63  }
0x40: {  	_ =	swait.ge [sflag:s31], $0x1900  }
0x41: {  	[sflag:s31] =	ssyncset.done $0x0  }
0x42: {  	[sflag:s31] =	ssyncadd.s32 $0xFFFFE700  }
0x43: {  	_ =	swait.ge [sflag:s31], $0x1900  }
0x44: {  	[sflag:s31] =	ssyncset.done $0x0  }
0x45: {  	[sflag:s31] =	ssyncadd.s32 $0xFFFFE700  }
0x46: {  	_ =	swait.ge [sflag:s31], $0x1900  }
0x47: {  	[sflag:s31] =	ssyncset.done $0x0  }
0x48: {  	[sflag:s31] =	ssyncadd.s32 $0xFFFFE700  }
0x49: {  	_ =	swait.ge [sflag:s31], $0x1900  }
0x4a: {  	[sflag:s31] =	ssyncset.done $0x0  }
0x4b: {  	[sflag:s31] =	ssyncadd.s32 $0xFFFFE700  }
0x4c: {  	_ =	swait.ge [sflag:s31], $0x1900  }
0x4d: {  	[sflag:s31] =	ssyncset.done $0x0  }
0x4e: {  	[sflag:s31] =	ssyncadd.s32 $0xFFFFE700  }
0x4f: {  	_ =	swait.ge [sflag:s31], $0x1900  }
0x50: {  	[sflag:s31] =	ssyncset.done $0x0  }
0x51: {  	[sflag:s31] =	ssyncadd.s32 $0xFFFFE700  }
0x52: {  	_ =	swait.ge [sflag:s31], $0x1900  }
0x53: {  	[sflag:s31] =	ssyncset.done $0x0  }
0x54: {  	p0 =	seq.s32 s30, $0x3E;
	[sflag:s31] =	ssyncadd.s32 $0xFFFFE700  }
0x55: {  	p1 =	seq.s32 @!p0 s30, $0x0;
	_ =	swait.ge [sflag:s31], $0x1900  }
0x56: {  	p1 =	por p0, !p1;
	[sflag:s31] =	ssyncset.done $0x0  }
.Ltmp2:
0x57: {  	[sflag:s31] =	ssyncadd.s32 $0xFFFFE700;
	(pc) =	sbr.rel @!p1 .LBB2_4-.Ltmp2, $4  }
0x58: {  	[hbm4b:s29+s3] =	stream.linear.scatter [tilespmem:s16], [sflag:$0x5], $0xC800, $0x38;
	[tilespmem:$0x19C80] =	vst v63  }
0x59: {  	s7 =	simm.s32 @!p0 $0x0  }
0x5a: {  	[tilespmem:s7], [sflag:$0x1] =	stream.linear.gather @!p0 [hbm4b:s28+s7], $0x640, $0x38;
	[tilespmem:$0x19C80] =	vst v63  }
0x5b: {  	s7 =	sadd.s32 @!p0 s30, s10  }
0x5c: {  	_ =	swait.ge [sflag:s26], $0xC800  }
0x5d: {  	[sflag:s26] =	ssyncset.done $0x0  }
0x5e: {  	s7 =	smov.u32 @p0 s8;
	[sflag:s26] =	ssyncadd.s32 $0xFFFF3800  }
.LBB2_4:
0x5f: {  	_ =	swait.ge [sflag:s0], $0x640  }
0x60: {  	[sflag:s0] =	ssyncset.done $0x0  }
0x61: {  	[sflag:s0] =	ssyncadd.s32 $0xFFFFF9C0  }
0x62: {  	[tilespmem:s1], [sflag:$0x4] =	stream.indirect.gather [hbm4b:s4+s15], $0x20, s13, s15, $0xb8;
	[tilespmem:$0x19C80] =	vst v63  }
0x63: {  	s6 =	simm.s32 $0x708;
	s9 =	simm.s32 $0xED80  }
0x64: {  	[tilespmem:s9], [sflag:$0x4] =	stream.indirect.gather [hbm4b:s4+s15], $0x20, s6, s15, $0xb8;
	[tilespmem:$0x19C80] =	vst v63  }
0x65: {  	s9 =	simm.s32 $0x7D0  }
0x66: {  	[tilespmem:s11], [sflag:$0x4] =	stream.indirect.gather [hbm4b:s4+s15], $0x20, s9, s15, $0xb8;
	[tilespmem:$0x19C80] =	vst v63  }
0x67: {  	_ = 	snop  }
0x68: {  	[tilespmem:s2], [sflag:$0x4] =	stream.indirect.gather [hbm4b:s4+s15], $0x20, s12, s15, $0xb8;
	[tilespmem:$0x19C80] =	vst v63  }
0x69: {  	_ = 	snop  }
0x6a: {  	[tilespmem:s18], [sflag:$0x4] =	stream.indirect.gather [hbm4b:s4+s15], $0x20, s17, s15, $0xb8;
	[tilespmem:$0x19C80] =	vst v63  }
0x6b: {  	_ = 	snop  }
0x6c: {  	[tilespmem:s20], [sflag:$0x4] =	stream.indirect.gather [hbm4b:s4+s15], $0x20, s19, s15, $0xb8;
	[tilespmem:$0x19C80] =	vst v63  }
0x6d: {  	_ = 	snop  }
0x6e: {  	[tilespmem:s22], [sflag:$0x4] =	stream.indirect.gather [hbm4b:s4+s15], $0x20, s21, s15, $0xb8;
	[tilespmem:$0x19C80] =	vst v63  }
0x6f: {  	_ = 	snop  }
0x70: {  	[tilespmem:s24], [sflag:$0x4] =	stream.indirect.gather [hbm4b:s4+s15], $0x20, s23, s15, $0xb8;
	[tilespmem:$0x19C80] =	vst v63  }
0x71: {  	_ =	swait.ge [sflag:s25], $0x1900  }
0x72: {  	[sflag:s25] =	ssyncset.done $0x0  }
0x73: {  	[sflag:s25] =	ssyncadd.s32 $0xFFFFE700  }
0x74: {  	_ =	swait.ge [sflag:s25], $0x1900  }
0x75: {  	[sflag:s25] =	ssyncset.done $0x0  }
0x76: {  	[sflag:s25] =	ssyncadd.s32 $0xFFFFE700  }
0x77: {  	_ =	swait.ge [sflag:s25], $0x1900  }
0x78: {  	[sflag:s25] =	ssyncset.done $0x0  }
0x79: {  	[sflag:s25] =	ssyncadd.s32 $0xFFFFE700  }
0x7a: {  	_ =	swait.ge [sflag:s25], $0x1900  }
0x7b: {  	[sflag:s25] =	ssyncset.done $0x0  }
0x7c: {  	[sflag:s25] =	ssyncadd.s32 $0xFFFFE700  }
0x7d: {  	_ =	swait.ge [sflag:s25], $0x1900  }
0x7e: {  	[sflag:s25] =	ssyncset.done $0x0  }
0x7f: {  	[sflag:s25] =	ssyncadd.s32 $0xFFFFE700  }
0x80: {  	_ =	swait.ge [sflag:s25], $0x1900  }
0x81: {  	[sflag:s25] =	ssyncset.done $0x0  }
0x82: {  	[sflag:s25] =	ssyncadd.s32 $0xFFFFE700  }
0x83: {  	_ =	swait.ge [sflag:s25], $0x1900  }
0x84: {  	[sflag:s25] =	ssyncset.done $0x0  }
0x85: {  	[sflag:s25] =	ssyncadd.s32 $0xFFFFE700  }
0x86: {  	_ =	swait.ge [sflag:s25], $0x1900  }
.Ltmp3:
0x87: {  	[sflag:s25] =	ssyncset.done $0x0;
	(pc) =	sbr.rel @p0 .LBB2_6-.Ltmp3, $4  }
0x88: {  	s6 =	smul.u32 $0x1900, s7;
	[sflag:s25] =	ssyncadd.s32 $0xFFFFE700  }
0x89: {  	s9 =	rddreg [dreg:$0x1]  }
0x8a: {  	s6 =	sadd.s32 s9, s6  }
0x8b: {  	[hbm4b:s6+s3] =	stream.linear.scatter [tilespmem:s1], [sflag:$0x6], $0xC800, $0x38;
	[tilespmem:$0x19C80] =	vst v63  }
0x8c: {  	s6 =	smul.u32 $0x640, s7  }
.Ltmp4:
0x8d: {  	_ = 	snop;
	(pc) =	sbr.rel .LBB2_2-.Ltmp4, $4  }
0x8e: {  	s6 =	sshrl.u32 s6, $0x3  }
0x8f: {  	s30 =	sadd.s32 $0x2, s30;
	s6 =	sadd.s32 s5, s6  }
0x90: {  	s29 =	sadd.s32 $0x3200, s29;
	s28 =	sadd.s32 $0x190, s28;
	s6 =	sadd.s32 $0x190, s6  }
0x91: {  	[tilespmem:s13], [sflag:$0x2] =	stream.linear.gather [hbm4b:s6+s3], $0x640, $0x38;
	[tilespmem:$0x19C80] =	vst v63  }
.LBB2_7:
0x92: {  	_ =	sfence.sel $0x180000  }
0x93: {  	[bflag:$0x0] =	sbarrier.arrive $0xFFFF  }
0x94: {  	_ =	strace $0x90000047  }
0x95: {  	s0 =	stileid.u32;
	[bflag:$0x2] =	sbarrier.arrive $0xFFFF  }
0x96: {  	p0 =	sne.s32 s0, $0x0;
	s0 =	rddreg [dreg:$0x2]  }
0x97: {  	s0 =	sadd.s32 @!p0 $0x100000, s0  }
0x98: {  	[sflag:s0] =	ssyncadd.tile.s32 @!p0 $0x1;
	_ =	shalt  }
.Lfunc_end2:
_tile_overlayer_lowered:
.L_overlay_start_2:
0x99: {  	(tag) =	ssettag $0x2  }
0x9a: {  	s0 =	rddreg [dreg:$0x0];
	s2 =	stileid.u32  }
0x9b: {  	s1 =	rddreg [dreg:$0x1];
	p0 =	sne.s32 s2, $0x0  }
0x9c: {  	s3 =	rddreg [dreg:$0x2];
	[bflag:$0x3] =	sbarrier.arrive $0xFFFF;
	s2 =	simm.s32 @!p0 $0x1C07  }
0x9d: {  	[timem:s3], [sflag:s2] =	dma.local @!p0 [hbm:s0], s1  }
0x9e: {  	s0 =	simm.s32 @!p0 $0x7  }
0x9f: {  	_ =	swait.ge @!p0 [sflag:s0], s1  }
0xa0: {  	s1 =	ssub.s32 @!p0 $0x0, s1;
	[sflag:s0] =	ssyncset.done @!p0 $0x0  }
0xa1: {  	[sflag:s0] =	ssyncadd.s32 @!p0 s1  }
0xa2: {  	[bflag:$0x3] =	sbarrier.arrive $0xFFFF  }
0xa3: {  	_ =	shalt  }

// kernel: sparse-core-data-format-call.cloned.1.call-start
scs
called_computation_lowered:
.L_overlay_start_0:
0x0: {  	s2 =	sld [smem:$0x3FD9]  }
0x1: {  	s3 =	sld [smem:$0x3FFE];
	_ =	sdelay $0x1  }
0x2: {  	s1 =	srdreg.scid  }
0x3: {  	s0 =	sand.u32 $0x1, s1  }
0x4: {  	s18 =	sshll.u32 s0, $0xA;
	s2 =	sadd.s32 s3, s2  }
0x5: {  	s2 =	sadd.s32 s2, s18  }
0x6: {  	[smem:$0x3FC6] =	sst s2  }
0x7: {  	_ = 	snop  }
0x8: {  	s2 =	sld [smem:$0x3FD0];
	(tm) =	ssettm $0x1  }
0x9: {  	s19 =	sld [smem:$0x3FFB];
	_ =	sdelay $0x3  }
0xa: {  	_ =	strace s19  }
0xb: {  	s3 =	sld [smem:$0x3FFC];
	_ =	sdelay $0x3  }
0xc: {  	_ =	strace s3  }
0xd: {  	s3 =	sld [smem:$0x3FFD];
	_ =	sdelay $0x3  }
0xe: {  	_ =	strace s3  }
0xf: {  	_ =	strace $0x8FFFFFFF  }
0x10: {  	s20 =	sld [smem:$0x3FDB];
	_ =	sdelay $0x1  }
0x11: {  	s4 =	simm.s32 $_scs_section_size  }
0x12: {  	s5 =	simm.s32 $_size__tile_overlayer_lowered;
	s6 =	simm.s32 $_tile_overlayer_lowered  }
0x13: {  	s23 =	simm.s32 $0x1BFF;
	s22 =	sshll.u32 s6, $0x1;
	s3 =	sadd.s32 s4, s20  }
0x14: {  	s7 =	simm.s32 $0x0;
	s21 =	sshll.u32 s5, $0x1;
	s5 =	sadd.s32 s22, s3  }
0x15: {  	[timem:s7], [sflag:s23] =	dma.local [hbm:s5], s21  }
0x16: {  	_ =	swait.ge [sflag:s23], s21  }
0x17: {  	s4 =	ssub.s32 $0x0, s21;
	[sflag:s23] =	ssyncset.done $0x0  }
0x18: {  	[sflag:s23] =	ssyncadd.s32 s4;
	_ =	sdelay $0x1  }
0x19: {  	s24 =	simm.s32 $0x1B8B  }
0x1a: {  	_ =	swait.ge [sflag:s24], $0x1  }
0x1b: {  	[sflag:s24] =	ssyncset.done $0x0  }
0x1c: {  	s26 =	simm.s32 $0x1B8E;
	s25 =	sld [smem:$0x3FFE];
	[sflag:s24] =	ssyncadd.s32 $0xFFFFFFFF  }
0x1d: {  	s27 =	simm.s32 $execute0_lowered;
	[smem:$0x3FD2] =	sst s26  }
0x1e: {  	s5 =	sshll.u32 s27, $0x1;
	_ =	strace $0x80000049;
	[dreg:$0x1] =	wrdreg $0xFFFFFFFF  }
0x1f: {  	s28 =	simm.s32 $_size_execute0_lowered;
	s3 =	sadd.s32 s3, s5;
	[dreg:$0x0] =	wrdreg $0x0  }
0x20: {  	s5 =	sshll.u32 s28, $0x1;
	[dreg:$0x2] =	wrdreg s3  }
0x21: {  	[dreg:$0x3] =	wrdreg s5  }
0x22: {  	[dreg:$0x4] =	wrdreg $0xC0  }
0x23: {  	_ =	task [dreg:s7], $0x5FFFF  }
0x24: {  	[dreg:$0x1] =	wrdreg $0xFFFFFFFF  }
0x25: {  	[dreg:$0x0] =	wrdreg $0x60  }
0x26: {  	[dreg:$0x2] =	wrdreg s25  }
0x27: {  	[dreg:$0x3] =	wrdreg s2  }
0x28: {  	[dreg:$0x4] =	wrdreg $0x9  }
0x29: {  	_ =	task.clear_ibuf [dreg:s7], $0x5FFFF;
	_ =	strace $0x90000049  }
0x2a: {  	s29 =	simm.s32 $0x9;
	_ =	strace $0x8000004B  }
0x2b: {  	_ =	swait.ge [sflag:s29], $0x1  }
0x2c: {  	[sflag:s29] =	ssyncadd.s32 $0xFFFFFFFF  }
0x2d: {  	_ =	strace $0x9000004B  }
0x2e: {  	_ =	sfence  }
0x2f: {  	s30 =	sld [smem:$0x0];
	_ =	sdelay $0x2  }
0x30: {  	s31 =	sshll.u32 s1, $0xD;
	s1 =	sshrl.u32 s1, $0x2  }
0x31: {  	s3 =	sand.u32 $0x4000, s31;
	s1 =	sadd.s32 s1, s30  }
0x32: {  	s0 =	sor.u32 s3, s0;
	s1 =	sshll.u32 s1, $0x11  }
0x33: {  	s0 =	sor.u32 s1, s0  }
0x34: {  	s0 =	sadd.s32 $0x8F2B, s0  }
0x35: {  	[sflag:s0] =	ssyncadd.remote.s32 $0x1  }
0x36: {  	_ =	sfence.sel $0xFFFF  }
0x37: {  	[dreg:$0x0] =	wrdreg $0xFFFFFFFF;
	(pc) =	sbr.abs _section_cstart, $3  }
0x38: {  	[dreg:$0x1] =	wrdreg $0xFFFFFFFF  }
0x39: {  	_ =	task.clear_ibuf [dreg:s7], $0x2FFFF;
	_ =	strace $0x9FFFFFFF  }
0x3a: {  	(tm) =	ssettm $0x7FFFFFFF  }
0x3b: {  	_ =	shalt  }
tec
execute0_lowered:
.L_overlay_start_1:
0x0: {  	(tag) =	ssettag $0x1  }
0x1: {  	s0 =	srdreg.scid  }
0x2: {  	s1 =	sshll.u32 s0, $0x4  }
0x3: {  	s0 =	stileid.u32;
	s1 =	sand.u32 $0x10, s1  }
0x4: {  	s1 =	sor.u32 s0, s1  }
0x5: {  	s6 =	rddreg [dreg:$0x0];
	s4 =	simm.s32 $0x1;
	s2 =	sshll.u32 s1, $0x7  }
0x6: {  	s7 =	simm.s32 $0x2;
	s12 =	simm.s32 $0x0;
	s1 =	ssub.s32 $0x4000, s2  }
0x7: {  	s8 =	simm.s32 $0x20000;
	s13 =	simm.s32 $0x0;
	s3 =	sand.u32 $0xF80, s1  }
0x8: {  	s9 =	simm.s32 $0x0;
	s5 =	sshrl.u32 s1, $0xC;
	p0 =	sne.s32 s3, $0x0  }
.Ltmp0:
0x9: {  	s1 =	rddreg [dreg:$0x2];
	s4 =	simm.s32 @!p0 $0x0;
	(pc) =	sbr.rel .LBB1_1-.Ltmp0, $4  }
0xa: {  	s11 =	simm.s32 $0x0;
	s3 =	rddreg [dreg:$0x1];
	s5 =	sadd.s32 s4, s5  }
0xb: {  	_ =	strace $0x8000004A;
	s4 =	simm.s32 $0x1;
	s5 =	smul.u32 $0xC8, s5  }
0xc: {  	s6 =	sadd.s32 $0x800, s6;
	s10 =	smov.u32 s2;
	[sflag:s4] =	ssyncpa.u1 $0x0  }
0xd: {  	p0 =	por $0x0, $0x0;
	[sflag:s7] =	ssyncpa.u1 $0x0;
	s7 =	sor.u32 $0x1, s5  }
.LBB1_4:
0xe: {  	s16 =	sshll.u32 s13, $0x3;
	s17 =	sand.u32 $0x78, s13  }
0xf: {  	s30 =	sand.u32 $0xF800, s13;
	s12 =	sshll.u32 s12, $0x10;
	s16 =	sand.u32 $0x3C00, s16  }
0x10: {  	s31 =	sand.u32 $0x7, s13;
	s16 =	sor.u32 s17, s16;
	s17 =	sadd.s32 s3, s30  }
0x11: {  	s13 =	sshll.u32 s31, $0x12;
	s16 =	sshrl.u32 s16, $0x3;
	s12 =	sadd.s32 s12, s17  }
0x12: {  	[tilespmem:s15+$0x0 ss:$0x81] =	vst.msk $0xffff, v0;
	s13 =	sor.u32 $0x400, s13;
	s12 =	sadd.s32 s16, s12  }
0x13: {  	[hbm4b:s12+s13] =	stream.strided.scatter [tilespmem:s14], [sflag:$0x2], $0x1000, s8, s13, $0x20;
	[tilespmem:$0x4040] =	vst v63  }
.LBB1_5:
0x14: {  	s14 =	sadd.s32 $0x1, s9  }
0x15: {  	s12 =	sadd.s32 $0x1000, s10;
	s16 =	smov.u32 s10;
	p2 =	sgt.s32 s14, $0xC7  }
0x16: {  	s16 =	smov.u32 @p2 s12  }
0x17: {  	s14 =	simm.s32 @p2 $0x0;
	p2 =	sgt.s32 s16, $0x3FFF  }
0x18: {  	s16 =	smov.u32 @p2 s2;
	p2 =	sne.s32 s11, s7  }
.Ltmp1:
0x19: {  	p1 =	slt.u32 s11, $0x2;
	(pc) =	sbr.rel @!p2 .LBB1_6-.Ltmp1, $4  }
0x1a: {  	s15 =	simm.s32 @!p1 $0x2  }
0x1b: {  	s13 =	smov.u32 s10;
	p0 =	por !p0, !p0;
	_ =	swait.ge @!p1 [sflag:s15], $0x1000  }
0x1c: {  	s12 =	smov.u32 s9;
	[sflag:s15] =	ssyncset.done @!p1 $0x0;
	s9 =	smov.u32 s14  }
0x1d: {  	s11 =	sadd.s32 $0x1, s11;
	[sflag:s15] =	ssyncadd.s32 @!p1 $0xFFFFF000;
	s10 =	smov.u32 s16  }
.LBB1_1:
0x1e: {  	p1 =	sge.u32 s11, s5  }
0x1f: {  	s14 =	sand.u32 @!p1 $0x1FFFFFF, s9  }
0x20: {  	s15 =	smulhi.u32 @!p1 $0x147AE15, s14;
	_ =	sdelay $0x1  }
0x21: {  	s15 =	smul.u32 @!p1 $0xC8, s15  }
0x22: {  	s16 =	sxor.u32 @!p1 $0xFFFFFFFF, s11;
	s17 =	smul.u32 @!p1 $0xC80, s10  }
0x23: {  	s31 =	sadd.s32 $0xFFFFFFFF, s11;
	s16 =	sshll.u32 @!p1 s16, $0xC;
	s14 =	ssub.s32 @!p1 s14, s15  }
0x24: {  	s15 =	sand.u32 @!p1 $0x1000, s16;
	s16 =	sadd.s32 @!p1 s6, s17;
	s14 =	sshll.u32 @!p1 s14, $0x4  }
0x25: {  	s17 =	simm.s32 @!p1 $0x6400;
	s14 =	sadd.s32 @!p1 s14, s16;
	s16 =	simm.s32 @!p1 $0x20  }
0x26: {  	[tilespmem:s15], [sflag:$0x1] =	stream.strided.gather @!p1 [hbm4b:s14+s16], $0x1000, s17, s16, $0x38;
	[tilespmem:$0x4040] =	vst v63  }
0x27: {  	p1 =	sge.u32 s31, s5  }
.Ltmp2:
0x28: {  	_ = 	snop;
	(pc) =	sbr.rel @p1 .LBB1_5-.Ltmp2, $1  }
0x29: {  	_ =	sdelay $0x3  }
0x2a: {  	s14 =	simm.s32 $0x1  }
0x2b: {  	_ =	swait.ge [sflag:s4], $0x1000;
	s14 =	simm.s32 @!p0 $0x0  }
0x2c: {  	[sflag:s4] =	ssyncset.done $0x0;
	s15 =	sshll.u32 s14, $0xC  }
0x2d: {  	[sflag:s4] =	ssyncadd.s32 $0xFFFFF000;
	s18 =	sor.u32 $0x10, s15  }
0x2e: {  	s14 =	smul.u32 $0x4080, s14;
	v1 =	vld [tilespmem:s18+$0x0]  }
0x2f: {  	s30 =	sand.u32 $0x1, s11;
	v0 =	vld [tilespmem:s18+$0xFFFFFFF0]  }
0x30: {  	s15 =	smul.u32 $0x4080, s30;
	s14 =	sshrl.u32 s14, $0x2  }
0x31: {  	s16 =	sor.u32 $0x2000, s14  }
0x32: {  	s31 =	sshrl.u32 s15, $0x2;
	s15 =	sadd.s32 $0x0, s16  }
0x33: {  	s17 =	simm.s32 $0x4;
	s18 =	sadd.s32 $0x20, s18;
	s14 =	sor.u32 $0x2000, s31;
	[tilespmem:s15+$0x810 ss:$0x81] =	vst.msk $0xffff, v1  }
.LBB1_3:
0x34: {  	v1 =	vld [tilespmem:s18+$0x0];
	p1 =	sne.s32 s17, $0x1FC;
	[tilespmem:s15+$0x0 ss:$0x81] =	vst.msk $0xffff, v0;
	s15 =	smov.u32 s17;
	s17 =	sadd.s32 $0x4, s17  }
.Ltmp3:
0x35: {  	v0 =	vld [tilespmem:s18+$0xFFFFFFF0];
	(pc) =	sbr.rel @p1 .LBB1_3-.Ltmp3, $4  }
0x36: {  	_ = 	snop  }
0x37: {  	s15 =	sshra.s32 s15, $0x2  }
0x38: {  	s15 =	sadd.s32 s15, s16  }
0x39: {  	s18 =	sadd.s32 $0x20, s18;
	[tilespmem:s15+$0x810 ss:$0x81] =	vst.msk $0xffff, v1  }
.Ltmp4:
0x3a: {  	_ = 	snop;
	(pc) =	sbr.rel .LBB1_4-.Ltmp4, $1  }
0x3b: {  	_ =	sdelay $0x3  }
.LBB1_6:
0x3c: {  	_ =	sfence.sel $0x180000  }
0x3d: {  	s2 =	simm.s32 $0x1;
	[bflag:$0x0] =	sbarrier.arrive $0xFFFF  }
0x3e: {  	s31 =	simm.s32 $0x2;
	[sflag:s2] =	ssyncpa.u1 $0x1  }
0x3f: {  	[sflag:s31] =	ssyncpa.u1 $0x1  }
0x40: {  	p0 =	sne.s32 s0, $0x0;
	_ =	strace $0x9000004A  }
0x41: {  	s0 =	sadd.s32 @!p0 $0x100000, s1;
	[bflag:$0x2] =	sbarrier.arrive $0xFFFF  }
0x42: {  	[sflag:s0] =	ssyncadd.tile.s32 @!p0 $0x1;
	_ =	shalt  }
.Lfunc_end1:
_tile_overlayer_lowered:
.L_overlay_start_2:
0x43: {  	(tag) =	ssettag $0x2  }
0x44: {  	s0 =	rddreg [dreg:$0x0];
	s2 =	stileid.u32  }
0x45: {  	s1 =	rddreg [dreg:$0x1];
	p0 =	sne.s32 s2, $0x0  }
0x46: {  	s3 =	rddreg [dreg:$0x2];
	[bflag:$0x3] =	sbarrier.arrive $0xFFFF;
	s2 =	simm.s32 @!p0 $0x1C01  }
0x47: {  	[timem:s3], [sflag:s2] =	dma.local @!p0 [hbm:s0], s1  }
0x48: {  	s0 =	simm.s32 @!p0 $0x1  }
0x49: {  	_ =	swait.ge @!p0 [sflag:s0], s1  }
0x4a: {  	s1 =	ssub.s32 @!p0 $0x0, s1;
	[sflag:s0] =	ssyncset.done @!p0 $0x0  }
0x4b: {  	[sflag:s0] =	ssyncadd.s32 @!p0 s1  }
0x4c: {  	[bflag:$0x3] =	sbarrier.arrive $0xFFFF  }
0x4d: {  	_ =	shalt  }

</sc_bundles>
